<compile_context>
chip_gen: v7x
topology: tpu7x:2x2x1
jax: 0.10.2.dev20260603
libtpu: 0.0.44.dev20260713+nightly
codegen_flags: <defaults>
</compile_context>

<pallas_src>
import functools

import jax
import jax.numpy as jnp
from jax import lax
from jax.experimental import pallas as pl
from jax.experimental.pallas import tpu as pltpu
from jax.experimental.pallas import tpu_sc as plsc

B = 16
C = 3
H = W = 256
P = 16
NH = H // P
NW_ = W // P
N = NH * NW_
PATCH_DIM = C * P * P
LATENT = 256
K = 8192
BETA = 0.25
ROWS = B * N

HALF_B = B // 2
HALF_ROWS = HALF_B * N
IMG_STEP = 1
ROW_TILE = IMG_STEP * N
CODE_CHUNK = 2048
N_CHUNKS = K // CODE_CHUNK


def _enc_vq_body(x_ref, w_ref, cb_ref, z_ref, idx_ref, cn_ref):
    i = pl.program_id(0)

    @pl.when(i == 0)
    def _():
        for c in range(N_CHUNKS):
            cb = cb_ref[c * CODE_CHUNK:(c + 1) * CODE_CHUNK, :]
            cn_ref[0, c * CODE_CHUNK:(c + 1) * CODE_CHUNK] = jnp.sum(cb * cb, axis=1)

    xb = x_ref[...]
    x6 = xb.reshape(IMG_STEP, C, NH, P, NW_, P)
    pf = x6.transpose(0, 2, 4, 1, 3, 5).reshape(ROW_TILE, PATCH_DIM)

    z = jnp.dot(pf, w_ref[...], preferred_element_type=jnp.float32)
    z_ref[...] = z
    zn = jnp.sum(z * z, axis=1, keepdims=True)
    best_v = None
    best_i = None
    for c in range(N_CHUNKS):
        cb = cb_ref[c * CODE_CHUNK:(c + 1) * CODE_CHUNK, :]
        cn = cn_ref[:, c * CODE_CHUNK:(c + 1) * CODE_CHUNK]
        mm = lax.dot_general(z, cb, (((1,), (1,)), ((), ())),
                             preferred_element_type=jnp.float32)
        d = (zn + cn) - 2.0 * mm
        vmin = jnp.min(d, axis=1, keepdims=True)
        col = lax.broadcasted_iota(jnp.int32, d.shape, 1) + (c * CODE_CHUNK)
        imin = jnp.min(jnp.where(d == vmin, col, jnp.int32(K)),
                       axis=1, keepdims=True)
        if best_v is None:
            best_v, best_i = vmin, imin
        else:
            take_new = vmin < best_v
            best_i = jnp.where(take_new, imin, best_i)
            best_v = jnp.where(take_new, vmin, best_v)
    idx_ref[...] = best_i[:, 0].reshape(1, 1, ROW_TILE)


def _encode_vq(x, enc_W, codebook, half):
    base = half * HALF_B
    return pl.pallas_call(
        _enc_vq_body,
        grid=(HALF_B // IMG_STEP,),
        in_specs=[
            pl.BlockSpec((IMG_STEP, C, H, W), lambda i, b=base // IMG_STEP: (i + b, 0, 0, 0)),
            pl.BlockSpec((PATCH_DIM, LATENT), lambda i: (0, 0)),
            pl.BlockSpec((K, LATENT), lambda i: (0, 0)),
        ],
        out_specs=[
            pl.BlockSpec((ROW_TILE, LATENT), lambda i: (i, 0)),
            pl.BlockSpec((1, 1, ROW_TILE), lambda i: (i, 0, 0)),
        ],
        out_shape=[
            jax.ShapeDtypeStruct((HALF_ROWS, LATENT), jnp.float32),
            jax.ShapeDtypeStruct((HALF_B // IMG_STEP, 1, ROW_TILE), jnp.int32),
        ],
        scratch_shapes=[pltpu.VMEM((1, K), jnp.float32)],
    )(x, enc_W, codebook)


def _dec_body(z_ref, zq_ref, w_ref, prev_ref, out_ref, loss_ref):
    del prev_ref
    i = pl.program_id(0)
    z = z_ref[...]
    zq = zq_ref[...]
    zq_st = z + (zq - z)
    dec = jnp.dot(zq_st, w_ref[...], preferred_element_type=jnp.float32)
    d6 = dec.reshape(IMG_STEP, NH, NW_, C, P, P)
    out_ref[...] = d6.transpose(0, 3, 1, 4, 2, 5).reshape(IMG_STEP, C, H, W)
    dz = z - zq
    part = jnp.sum(dz * dz).reshape(1, 1)

    @pl.when(i == 0)
    def _():
        loss_ref[...] = part

    @pl.when(i > 0)
    def _():
        loss_ref[...] = loss_ref[...] + part


def _decode(z, zq, dec_W, prev, half):
    base = half * HALF_B
    in_specs = [
        pl.BlockSpec((ROW_TILE, LATENT), lambda i: (i, 0)),
        pl.BlockSpec((ROW_TILE, LATENT), lambda i: (i, 0)),
        pl.BlockSpec((LATENT, PATCH_DIM), lambda i: (0, 0)),
    ]
    args = [z, zq, dec_W]
    aliases = {}
    body = _dec_body
    if prev is not None:
        in_specs.append(pl.BlockSpec(memory_space=pltpu.MemorySpace.HBM))
        args.append(prev)
        aliases = {3: 0}
    else:
        def body(z_ref, zq_ref, w_ref, out_ref, loss_ref):
            return _dec_body(z_ref, zq_ref, w_ref, None, out_ref, loss_ref)
    return pl.pallas_call(
        body,
        grid=(HALF_B // IMG_STEP,),
        in_specs=in_specs,
        out_specs=[
            pl.BlockSpec((IMG_STEP, C, H, W), lambda i, b=base // IMG_STEP: (i + b, 0, 0, 0)),
            pl.BlockSpec((1, 1), lambda i: (0, 0)),
        ],
        out_shape=[
            jax.ShapeDtypeStruct((B, C, H, W), jnp.float32),
            jax.ShapeDtypeStruct((1, 1), jnp.float32),
        ],
        input_output_aliases=aliases,
    )(*args)


def _sc_gather(codebook, idx):
    nrows = idx.shape[0]
    info = plsc.get_sparse_core_info()
    nc, ns = info.num_cores, info.num_subcores
    nworkers = nc * ns
    bpw = nrows // nworkers
    hw = bpw // 2
    mesh = plsc.VectorSubcoreMesh(core_axis_name="c", subcore_axis_name="s")

    @functools.partial(
        pl.kernel,
        mesh=mesh,
        out_type=jax.ShapeDtypeStruct((nrows, LATENT), jnp.float32),
        scratch_types=[
            pltpu.VMEM((hw,), jnp.int32),
            pltpu.VMEM((hw,), jnp.int32),
            pltpu.VMEM((hw, LATENT), jnp.float32),
            pltpu.VMEM((hw, LATENT), jnp.float32),
            pltpu.SemaphoreType.DMA,
            pltpu.SemaphoreType.DMA,
        ],
    )
    def gather_kernel(cb_hbm, idx_hbm, out_hbm, idx_a, idx_b, rows_a, rows_b,
                      sem_a, sem_b):
        wid = lax.axis_index("s") * nc + lax.axis_index("c")
        base = wid * bpw
        pltpu.sync_copy(idx_hbm.at[pl.ds(base, hw)], idx_a)
        pltpu.sync_copy(idx_hbm.at[pl.ds(base + hw, hw)], idx_b)
        ca = pltpu.async_copy(cb_hbm.at[idx_a], rows_a, sem_a)
        cb = pltpu.async_copy(cb_hbm.at[idx_b], rows_b, sem_b)
        ca.wait()
        pltpu.sync_copy(rows_a, out_hbm.at[pl.ds(base, hw)])
        cb.wait()
        pltpu.sync_copy(rows_b, out_hbm.at[pl.ds(base + hw, hw)])

    return gather_kernel(codebook, idx)


def kernel(x, enc_W, dec_W, codebook):
    z0, i0 = _encode_vq(x, enc_W, codebook, 0)
    z1, i1 = _encode_vq(x, enc_W, codebook, 1)
    zq0 = _sc_gather(codebook, i0.reshape(HALF_ROWS))
    zq1 = _sc_gather(codebook, i1.reshape(HALF_ROWS))
    d0, l0 = _decode(z0, zq0, dec_W, None, 0)
    decoded_images, l1 = _decode(z1, zq1, dec_W, d0, 1)
    codebook_indices = jnp.concatenate(
        [i0.reshape(HALF_B, N), i1.reshape(HALF_B, N)], axis=0)
    m = (l0[0, 0] + l1[0, 0]) / jnp.float32(ROWS * LATENT)
    q_loss = m + jnp.float32(BETA) * m
    return decoded_images, codebook_indices, q_loss

# --- scband reference (transcript-rebuilt; emitter-appended) ---
"""Pipeline reference for scband-vq-gan-34213709480722 (READ-ONLY COPY).

The authoritative reference and input builder live on the scoring server;
editing this copy changes nothing except your own understanding.
"""

import jax, jax.numpy as jnp
import numpy as np

B, C, H, W = 16, 3, 256, 256
P = 16
NH, NW = H // P, W // P
N = NH * NW
PATCH_DIM = C * P * P
LATENT = 256
K = 8192
BETA = 0.25


def setup_inputs(seed: int = 0) -> dict:
    key = jax.random.key(seed)
    k1, k2, k3, k4 = jax.random.split(key, 4)
    x = jax.random.normal(k1, (B, C, H, W), dtype=jnp.float32)
    enc_W = jax.random.normal(k2, (PATCH_DIM, LATENT), dtype=jnp.float32) * 0.02
    dec_W = jax.random.normal(k3, (LATENT, PATCH_DIM), dtype=jnp.float32) * 0.02
    codebook = jax.random.normal(k4, (K, LATENT), dtype=jnp.float32)
    return {"x": x, "enc_W": enc_W, "dec_W": dec_W, "codebook": codebook}


def _patchify(x):
    b = x.shape[0]
    x = x.reshape(b, C, NH, P, NW, P)
    x = x.transpose(0, 2, 4, 1, 3, 5)
    return x.reshape(b, N, PATCH_DIM)


def _unpatchify(t):
    b = t.shape[0]
    x = t.reshape(b, NH, NW, C, P, P)
    x = x.transpose(0, 3, 1, 4, 2, 5)
    return x.reshape(b, C, H, W)


def reference(x, enc_W, dec_W, codebook):
    # Encoder: patchify + linear projection to latent space (stand-in for conv encoder)
    z = _patchify(x) @ enc_W  # [B, N, LATENT]
    zf = z.reshape(-1, LATENT)  # [B*N, LATENT]
    # Vector quantization: nearest codebook vector by L2 distance
    d = (jnp.sum(zf ** 2, axis=1, keepdims=True)
         + jnp.sum(codebook ** 2, axis=1)[None, :]
         - 2.0 * (zf @ codebook.T))  # [B*N, K]
    idx = jnp.argmin(d, axis=1)  # [B*N]
    zq = jnp.take(codebook, idx, axis=0)  # gather: [B*N, LATENT]
    sg = jax.lax.stop_gradient
    # VQ loss: codebook loss + beta * commitment loss
    q_loss = jnp.mean((sg(zf) - zq) ** 2) + BETA * jnp.mean((zf - sg(zq)) ** 2)
    # Straight-through estimator
    zq_st = zf + sg(zq - zf)
    # Decoder: linear projection back to patch pixels + unpatchify
    decoded_images = _unpatchify(zq_st.reshape(B, N, LATENT) @ dec_W)  # [B, C, H, W]
    codebook_indices = idx.reshape(B, N)
    return decoded_images, codebook_indices, q_loss

if __name__ == "__main__":
    import jax
    _d = setup_inputs()
    print(jax.jit(kernel)(*tuple(_d.values())))

</pallas_src>

<mosaic_0001>
#map = affine_map<(d0, d1) -> (0, 0)>
#map1 = affine_map<(d0, d1) -> (0)>
module attributes {stable_mosaic.version = 14 : i64} {
  func.func @gather_kernel(%arg0: i32, %arg1: i32, %arg2: memref<8192x256xf32, #tpu.memory_space<hbm>>, %arg3: memref<2048xi32, #tpu.memory_space<hbm>>, %arg4: memref<2048x256xf32, #tpu.memory_space<hbm>>, %arg5: memref<32xi32, #tpu.memory_space<vmem>>, %arg6: memref<32xi32, #tpu.memory_space<vmem>>, %arg7: memref<32x256xf32, #tpu.memory_space<vmem>>, %arg8: memref<32x256xf32, #tpu.memory_space<vmem>>, %arg9: memref<!tpu.dma_semaphore, #tpu.memory_space<semaphore_mem>>, %arg10: memref<!tpu.dma_semaphore, #tpu.memory_space<semaphore_mem>>) attributes {dimension_semantics = [#tpu.dimension_semantics<core_parallel>, #tpu.dimension_semantics<subcore_parallel>], iteration_bounds = array<i64: 2, 16>, scalar_prefetch = 0 : i64, scratch_operands = 6 : i64, tpu.core_type = #tpu.core_type<sc_vector_subcore>, window_params = [{transform_indices = #map}, {transform_indices = #map1}, {transform_indices = #map}]} {
    %mul3A = arith.constant 2 : i32
    %mul3A_0 = arith.muli %arg1, %mul3A : i32
    %add3A = arith.addi %mul3A_0, %arg0 : i32
    %mul3A_1 = arith.constant 64 : i32
    %mul3A_2 = arith.muli %add3A, %mul3A_1 : i32
    "tpu.region"() ({
      %run_scoped3A = tpu.sem_alloc : memref<!tpu.dma_semaphore, #tpu.memory_space<semaphore_mem>>
      %dma_start3A_17 = tpu.memref_slice %arg3[%mul3A_2] : memref<2048xi32, #tpu.memory_space<hbm>> -> memref<32xi32, #tpu.memory_space<hbm>>
      %dma_start3A_18 = tpu.memref_slice %arg3[%mul3A_2] : memref<2048xi32, #tpu.memory_space<hbm>> -> memref<32xi32, #tpu.memory_space<hbm>>
      tpu.enqueue_dma source(%dma_start3A_18 : memref<32xi32, #tpu.memory_space<hbm>>) target(%arg5 : memref<32xi32, #tpu.memory_space<vmem>>) target_semaphore(%run_scoped3A : memref<!tpu.dma_semaphore, #tpu.memory_space<semaphore_mem>>)
      %dma_wait3A_19 = tpu.memref_slice %arg3[%mul3A_2] : memref<2048xi32, #tpu.memory_space<hbm>> -> memref<32xi32, #tpu.memory_space<hbm>>
      %dma_wait3A_20 = tpu.memref_slice %arg3[%mul3A_2] : memref<2048xi32, #tpu.memory_space<hbm>> -> memref<32xi32, #tpu.memory_space<hbm>>
      tpu.wait_dma2 semaphore(%run_scoped3A : memref<!tpu.dma_semaphore, #tpu.memory_space<semaphore_mem>>) src(%dma_wait3A_20 : memref<32xi32, #tpu.memory_space<hbm>>) dst(%arg5 : memref<32xi32, #tpu.memory_space<vmem>>)
      tpu.yield
    }) : () -> ()
    %add3A_3 = arith.constant 32 : i32
    %add3A_4 = arith.addi %mul3A_2, %add3A_3 : i32
    "tpu.region"() ({
      %run_scoped3A = tpu.sem_alloc : memref<!tpu.dma_semaphore, #tpu.memory_space<semaphore_mem>>
      %dma_start3A_17 = tpu.memref_slice %arg3[%add3A_4] : memref<2048xi32, #tpu.memory_space<hbm>> -> memref<32xi32, #tpu.memory_space<hbm>>
      %dma_start3A_18 = tpu.memref_slice %arg3[%add3A_4] : memref<2048xi32, #tpu.memory_space<hbm>> -> memref<32xi32, #tpu.memory_space<hbm>>
      tpu.enqueue_dma source(%dma_start3A_18 : memref<32xi32, #tpu.memory_space<hbm>>) target(%arg6 : memref<32xi32, #tpu.memory_space<vmem>>) target_semaphore(%run_scoped3A : memref<!tpu.dma_semaphore, #tpu.memory_space<semaphore_mem>>)
      %dma_wait3A_19 = tpu.memref_slice %arg3[%add3A_4] : memref<2048xi32, #tpu.memory_space<hbm>> -> memref<32xi32, #tpu.memory_space<hbm>>
      %dma_wait3A_20 = tpu.memref_slice %arg3[%add3A_4] : memref<2048xi32, #tpu.memory_space<hbm>> -> memref<32xi32, #tpu.memory_space<hbm>>
      tpu.wait_dma2 semaphore(%run_scoped3A : memref<!tpu.dma_semaphore, #tpu.memory_space<semaphore_mem>>) src(%dma_wait3A_20 : memref<32xi32, #tpu.memory_space<hbm>>) dst(%arg6 : memref<32xi32, #tpu.memory_space<vmem>>)
      tpu.yield
    }) : () -> ()
    %dma_start3A = arith.constant 0 : i32
    %dma_start3A_5 = arith.constant 0 : i32
    %dma_start3A_6 = tpu.memref_slice %arg2[%dma_start3A, %dma_start3A_5] : memref<8192x256xf32, #tpu.memory_space<hbm>> -> memref<8192x256xf32, #tpu.memory_space<hbm>>
    tpu.enqueue_indirect_dma source(%dma_start3A_6 : memref<8192x256xf32, #tpu.memory_space<hbm>>) target(%arg7 : memref<32x256xf32, #tpu.memory_space<vmem>>) offsets(%arg5 : memref<32xi32, #tpu.memory_space<vmem>>) semaphore(%arg9 : memref<!tpu.dma_semaphore, #tpu.memory_space<semaphore_mem>>)
    %dma_start3A_7 = arith.constant 0 : i32
    %dma_start3A_8 = arith.constant 0 : i32
    %dma_start3A_9 = tpu.memref_slice %arg2[%dma_start3A_7, %dma_start3A_8] : memref<8192x256xf32, #tpu.memory_space<hbm>> -> memref<8192x256xf32, #tpu.memory_space<hbm>>
    tpu.enqueue_indirect_dma source(%dma_start3A_9 : memref<8192x256xf32, #tpu.memory_space<hbm>>) target(%arg8 : memref<32x256xf32, #tpu.memory_space<vmem>>) offsets(%arg6 : memref<32xi32, #tpu.memory_space<vmem>>) semaphore(%arg10 : memref<!tpu.dma_semaphore, #tpu.memory_space<semaphore_mem>>)
    %dma_wait3A = arith.constant 0 : i32
    %dma_wait3A_10 = arith.constant 0 : i32
    %dma_wait3A_11 = tpu.memref_slice %arg2[%dma_wait3A, %dma_wait3A_10] : memref<8192x256xf32, #tpu.memory_space<hbm>> -> memref<8192x256xf32, #tpu.memory_space<hbm>>
    tpu.wait_indirect_dma semaphore(%arg9 : memref<!tpu.dma_semaphore, #tpu.memory_space<semaphore_mem>>) src(%dma_wait3A_11 : memref<8192x256xf32, #tpu.memory_space<hbm>>) dst(%arg7 : memref<32x256xf32, #tpu.memory_space<vmem>>)
    "tpu.region"() ({
      %run_scoped3A = tpu.sem_alloc : memref<!tpu.dma_semaphore, #tpu.memory_space<semaphore_mem>>
      %dma_start3A_17 = arith.constant 0 : i32
      %dma_start3A_18 = tpu.memref_slice %arg4[%mul3A_2, %dma_start3A_17] : memref<2048x256xf32, #tpu.memory_space<hbm>> -> memref<32x256xf32, #tpu.memory_space<hbm>>
      %dma_start3A_19 = arith.constant 0 : i32
      %dma_start3A_20 = tpu.memref_slice %arg4[%mul3A_2, %dma_start3A_19] : memref<2048x256xf32, #tpu.memory_space<hbm>> -> memref<32x256xf32, #tpu.memory_space<hbm>>
      tpu.enqueue_dma source(%arg7 : memref<32x256xf32, #tpu.memory_space<vmem>>) target(%dma_start3A_20 : memref<32x256xf32, #tpu.memory_space<hbm>>) target_semaphore(%run_scoped3A : memref<!tpu.dma_semaphore, #tpu.memory_space<semaphore_mem>>)
      %dma_wait3A_21 = arith.constant 0 : i32
      %dma_wait3A_22 = tpu.memref_slice %arg4[%mul3A_2, %dma_wait3A_21] : memref<2048x256xf32, #tpu.memory_space<hbm>> -> memref<32x256xf32, #tpu.memory_space<hbm>>
      %dma_wait3A_23 = arith.constant 0 : i32
      %dma_wait3A_24 = tpu.memref_slice %arg4[%mul3A_2, %dma_wait3A_23] : memref<2048x256xf32, #tpu.memory_space<hbm>> -> memref<32x256xf32, #tpu.memory_space<hbm>>
      tpu.wait_dma2 semaphore(%run_scoped3A : memref<!tpu.dma_semaphore, #tpu.memory_space<semaphore_mem>>) src(%arg7 : memref<32x256xf32, #tpu.memory_space<vmem>>) dst(%dma_wait3A_24 : memref<32x256xf32, #tpu.memory_space<hbm>>)
      tpu.yield
    }) : () -> ()
    %dma_wait3A_12 = arith.constant 0 : i32
    %dma_wait3A_13 = arith.constant 0 : i32
    %dma_wait3A_14 = tpu.memref_slice %arg2[%dma_wait3A_12, %dma_wait3A_13] : memref<8192x256xf32, #tpu.memory_space<hbm>> -> memref<8192x256xf32, #tpu.memory_space<hbm>>
    tpu.wait_indirect_dma semaphore(%arg10 : memref<!tpu.dma_semaphore, #tpu.memory_space<semaphore_mem>>) src(%dma_wait3A_14 : memref<8192x256xf32, #tpu.memory_space<hbm>>) dst(%arg8 : memref<32x256xf32, #tpu.memory_space<vmem>>)
    %add3A_15 = arith.constant 32 : i32
    %add3A_16 = arith.addi %mul3A_2, %add3A_15 : i32
    "tpu.region"() ({
      %run_scoped3A = tpu.sem_alloc : memref<!tpu.dma_semaphore, #tpu.memory_space<semaphore_mem>>
      %dma_start3A_17 = arith.constant 0 : i32
      %dma_start3A_18 = tpu.memref_slice %arg4[%add3A_16, %dma_start3A_17] : memref<2048x256xf32, #tpu.memory_space<hbm>> -> memref<32x256xf32, #tpu.memory_space<hbm>>
      %dma_start3A_19 = arith.constant 0 : i32
      %dma_start3A_20 = tpu.memref_slice %arg4[%add3A_16, %dma_start3A_19] : memref<2048x256xf32, #tpu.memory_space<hbm>> -> memref<32x256xf32, #tpu.memory_space<hbm>>
      tpu.enqueue_dma source(%arg8 : memref<32x256xf32, #tpu.memory_space<vmem>>) target(%dma_start3A_20 : memref<32x256xf32, #tpu.memory_space<hbm>>) target_semaphore(%run_scoped3A : memref<!tpu.dma_semaphore, #tpu.memory_space<semaphore_mem>>)
      %dma_wait3A_21 = arith.constant 0 : i32
      %dma_wait3A_22 = tpu.memref_slice %arg4[%add3A_16, %dma_wait3A_21] : memref<2048x256xf32, #tpu.memory_space<hbm>> -> memref<32x256xf32, #tpu.memory_space<hbm>>
      %dma_wait3A_23 = arith.constant 0 : i32
      %dma_wait3A_24 = tpu.memref_slice %arg4[%add3A_16, %dma_wait3A_23] : memref<2048x256xf32, #tpu.memory_space<hbm>> -> memref<32x256xf32, #tpu.memory_space<hbm>>
      tpu.wait_dma2 semaphore(%run_scoped3A : memref<!tpu.dma_semaphore, #tpu.memory_space<semaphore_mem>>) src(%arg8 : memref<32x256xf32, #tpu.memory_space<vmem>>) dst(%dma_wait3A_24 : memref<32x256xf32, #tpu.memory_space<hbm>>)
      tpu.yield
    }) : () -> ()
    return
  }
}

#map = affine_map<(d0, d1) -> (0, 0)>
#map1 = affine_map<(d0, d1) -> (0)>
module attributes {stable_mosaic.version = 14 : i64} {
  func.func @gather_kernel(%arg0: i32, %arg1: i32, %arg2: memref<8192x256xf32, #tpu.memory_space<hbm>>, %arg3: memref<2048xi32, #tpu.memory_space<hbm>>, %arg4: memref<2048x256xf32, #tpu.memory_space<hbm>>, %arg5: memref<32xi32, #tpu.memory_space<vmem>>, %arg6: memref<32xi32, #tpu.memory_space<vmem>>, %arg7: memref<32x256xf32, #tpu.memory_space<vmem>>, %arg8: memref<32x256xf32, #tpu.memory_space<vmem>>, %arg9: memref<!tpu.dma_semaphore, #tpu.memory_space<semaphore_mem>>, %arg10: memref<!tpu.dma_semaphore, #tpu.memory_space<semaphore_mem>>) attributes {dimension_semantics = [#tpu.dimension_semantics<core_parallel>, #tpu.dimension_semantics<subcore_parallel>], iteration_bounds = array<i64: 2, 16>, scalar_prefetch = 0 : i64, scratch_operands = 6 : i64, tpu.core_type = #tpu.core_type<sc_vector_subcore>, window_params = [{transform_indices = #map}, {transform_indices = #map1}, {transform_indices = #map}]} {
    %mul3A = arith.constant 2 : i32
    %mul3A_0 = arith.muli %arg1, %mul3A : i32
    %add3A = arith.addi %mul3A_0, %arg0 : i32
    %mul3A_1 = arith.constant 64 : i32
    %mul3A_2 = arith.muli %add3A, %mul3A_1 : i32
    "tpu.region"() ({
      %run_scoped3A = tpu.sem_alloc : memref<!tpu.dma_semaphore, #tpu.memory_space<semaphore_mem>>
      %dma_start3A_17 = tpu.memref_slice %arg3[%mul3A_2] : memref<2048xi32, #tpu.memory_space<hbm>> -> memref<32xi32, #tpu.memory_space<hbm>>
      %dma_start3A_18 = tpu.memref_slice %arg3[%mul3A_2] : memref<2048xi32, #tpu.memory_space<hbm>> -> memref<32xi32, #tpu.memory_space<hbm>>
      tpu.enqueue_dma source(%dma_start3A_18 : memref<32xi32, #tpu.memory_space<hbm>>) target(%arg5 : memref<32xi32, #tpu.memory_space<vmem>>) target_semaphore(%run_scoped3A : memref<!tpu.dma_semaphore, #tpu.memory_space<semaphore_mem>>)
      %dma_wait3A_19 = tpu.memref_slice %arg3[%mul3A_2] : memref<2048xi32, #tpu.memory_space<hbm>> -> memref<32xi32, #tpu.memory_space<hbm>>
      %dma_wait3A_20 = tpu.memref_slice %arg3[%mul3A_2] : memref<2048xi32, #tpu.memory_space<hbm>> -> memref<32xi32, #tpu.memory_space<hbm>>
      tpu.wait_dma2 semaphore(%run_scoped3A : memref<!tpu.dma_semaphore, #tpu.memory_space<semaphore_mem>>) src(%dma_wait3A_20 : memref<32xi32, #tpu.memory_space<hbm>>) dst(%arg5 : memref<32xi32, #tpu.memory_space<vmem>>)
      tpu.yield
    }) : () -> ()
    %add3A_3 = arith.constant 32 : i32
    %add3A_4 = arith.addi %mul3A_2, %add3A_3 : i32
    "tpu.region"() ({
      %run_scoped3A = tpu.sem_alloc : memref<!tpu.dma_semaphore, #tpu.memory_space<semaphore_mem>>
      %dma_start3A_17 = tpu.memref_slice %arg3[%add3A_4] : memref<2048xi32, #tpu.memory_space<hbm>> -> memref<32xi32, #tpu.memory_space<hbm>>
      %dma_start3A_18 = tpu.memref_slice %arg3[%add3A_4] : memref<2048xi32, #tpu.memory_space<hbm>> -> memref<32xi32, #tpu.memory_space<hbm>>
      tpu.enqueue_dma source(%dma_start3A_18 : memref<32xi32, #tpu.memory_space<hbm>>) target(%arg6 : memref<32xi32, #tpu.memory_space<vmem>>) target_semaphore(%run_scoped3A : memref<!tpu.dma_semaphore, #tpu.memory_space<semaphore_mem>>)
      %dma_wait3A_19 = tpu.memref_slice %arg3[%add3A_4] : memref<2048xi32, #tpu.memory_space<hbm>> -> memref<32xi32, #tpu.memory_space<hbm>>
      %dma_wait3A_20 = tpu.memref_slice %arg3[%add3A_4] : memref<2048xi32, #tpu.memory_space<hbm>> -> memref<32xi32, #tpu.memory_space<hbm>>
      tpu.wait_dma2 semaphore(%run_scoped3A : memref<!tpu.dma_semaphore, #tpu.memory_space<semaphore_mem>>) src(%dma_wait3A_20 : memref<32xi32, #tpu.memory_space<hbm>>) dst(%arg6 : memref<32xi32, #tpu.memory_space<vmem>>)
      tpu.yield
    }) : () -> ()
    %dma_start3A = arith.constant 0 : i32
    %dma_start3A_5 = arith.constant 0 : i32
    %dma_start3A_6 = tpu.memref_slice %arg2[%dma_start3A, %dma_start3A_5] : memref<8192x256xf32, #tpu.memory_space<hbm>> -> memref<8192x256xf32, #tpu.memory_space<hbm>>
    tpu.enqueue_indirect_dma source(%dma_start3A_6 : memref<8192x256xf32, #tpu.memory_space<hbm>>) target(%arg7 : memref<32x256xf32, #tpu.memory_space<vmem>>) offsets(%arg5 : memref<32xi32, #tpu.memory_space<vmem>>) semaphore(%arg9 : memref<!tpu.dma_semaphore, #tpu.memory_space<semaphore_mem>>)
    %dma_start3A_7 = arith.constant 0 : i32
    %dma_start3A_8 = arith.constant 0 : i32
    %dma_start3A_9 = tpu.memref_slice %arg2[%dma_start3A_7, %dma_start3A_8] : memref<8192x256xf32, #tpu.memory_space<hbm>> -> memref<8192x256xf32, #tpu.memory_space<hbm>>
    tpu.enqueue_indirect_dma source(%dma_start3A_9 : memref<8192x256xf32, #tpu.memory_space<hbm>>) target(%arg8 : memref<32x256xf32, #tpu.memory_space<vmem>>) offsets(%arg6 : memref<32xi32, #tpu.memory_space<vmem>>) semaphore(%arg10 : memref<!tpu.dma_semaphore, #tpu.memory_space<semaphore_mem>>)
    %dma_wait3A = arith.constant 0 : i32
    %dma_wait3A_10 = arith.constant 0 : i32
    %dma_wait3A_11 = tpu.memref_slice %arg2[%dma_wait3A, %dma_wait3A_10] : memref<8192x256xf32, #tpu.memory_space<hbm>> -> memref<8192x256xf32, #tpu.memory_space<hbm>>
    tpu.wait_indirect_dma semaphore(%arg9 : memref<!tpu.dma_semaphore, #tpu.memory_space<semaphore_mem>>) src(%dma_wait3A_11 : memref<8192x256xf32, #tpu.memory_space<hbm>>) dst(%arg7 : memref<32x256xf32, #tpu.memory_space<vmem>>)
    "tpu.region"() ({
      %run_scoped3A = tpu.sem_alloc : memref<!tpu.dma_semaphore, #tpu.memory_space<semaphore_mem>>
      %dma_start3A_17 = arith.constant 0 : i32
      %dma_start3A_18 = tpu.memref_slice %arg4[%mul3A_2, %dma_start3A_17] : memref<2048x256xf32, #tpu.memory_space<hbm>> -> memref<32x256xf32, #tpu.memory_space<hbm>>
      %dma_start3A_19 = arith.constant 0 : i32
      %dma_start3A_20 = tpu.memref_slice %arg4[%mul3A_2, %dma_start3A_19] : memref<2048x256xf32, #tpu.memory_space<hbm>> -> memref<32x256xf32, #tpu.memory_space<hbm>>
      tpu.enqueue_dma source(%arg7 : memref<32x256xf32, #tpu.memory_space<vmem>>) target(%dma_start3A_20 : memref<32x256xf32, #tpu.memory_space<hbm>>) target_semaphore(%run_scoped3A : memref<!tpu.dma_semaphore, #tpu.memory_space<semaphore_mem>>)
      %dma_wait3A_21 = arith.constant 0 : i32
      %dma_wait3A_22 = tpu.memref_slice %arg4[%mul3A_2, %dma_wait3A_21] : memref<2048x256xf32, #tpu.memory_space<hbm>> -> memref<32x256xf32, #tpu.memory_space<hbm>>
      %dma_wait3A_23 = arith.constant 0 : i32
      %dma_wait3A_24 = tpu.memref_slice %arg4[%mul3A_2, %dma_wait3A_23] : memref<2048x256xf32, #tpu.memory_space<hbm>> -> memref<32x256xf32, #tpu.memory_space<hbm>>
      tpu.wait_dma2 semaphore(%run_scoped3A : memref<!tpu.dma_semaphore, #tpu.memory_space<semaphore_mem>>) src(%arg7 : memref<32x256xf32, #tpu.memory_space<vmem>>) dst(%dma_wait3A_24 : memref<32x256xf32, #tpu.memory_space<hbm>>)
      tpu.yield
    }) : () -> ()
    %dma_wait3A_12 = arith.constant 0 : i32
    %dma_wait3A_13 = arith.constant 0 : i32
    %dma_wait3A_14 = tpu.memref_slice %arg2[%dma_wait3A_12, %dma_wait3A_13] : memref<8192x256xf32, #tpu.memory_space<hbm>> -> memref<8192x256xf32, #tpu.memory_space<hbm>>
    tpu.wait_indirect_dma semaphore(%arg10 : memref<!tpu.dma_semaphore, #tpu.memory_space<semaphore_mem>>) src(%dma_wait3A_14 : memref<8192x256xf32, #tpu.memory_space<hbm>>) dst(%arg8 : memref<32x256xf32, #tpu.memory_space<vmem>>)
    %add3A_15 = arith.constant 32 : i32
    %add3A_16 = arith.addi %mul3A_2, %add3A_15 : i32
    "tpu.region"() ({
      %run_scoped3A = tpu.sem_alloc : memref<!tpu.dma_semaphore, #tpu.memory_space<semaphore_mem>>
      %dma_start3A_17 = arith.constant 0 : i32
      %dma_start3A_18 = tpu.memref_slice %arg4[%add3A_16, %dma_start3A_17] : memref<2048x256xf32, #tpu.memory_space<hbm>> -> memref<32x256xf32, #tpu.memory_space<hbm>>
      %dma_start3A_19 = arith.constant 0 : i32
      %dma_start3A_20 = tpu.memref_slice %arg4[%add3A_16, %dma_start3A_19] : memref<2048x256xf32, #tpu.memory_space<hbm>> -> memref<32x256xf32, #tpu.memory_space<hbm>>
      tpu.enqueue_dma source(%arg8 : memref<32x256xf32, #tpu.memory_space<vmem>>) target(%dma_start3A_20 : memref<32x256xf32, #tpu.memory_space<hbm>>) target_semaphore(%run_scoped3A : memref<!tpu.dma_semaphore, #tpu.memory_space<semaphore_mem>>)
      %dma_wait3A_21 = arith.constant 0 : i32
      %dma_wait3A_22 = tpu.memref_slice %arg4[%add3A_16, %dma_wait3A_21] : memref<2048x256xf32, #tpu.memory_space<hbm>> -> memref<32x256xf32, #tpu.memory_space<hbm>>
      %dma_wait3A_23 = arith.constant 0 : i32
      %dma_wait3A_24 = tpu.memref_slice %arg4[%add3A_16, %dma_wait3A_23] : memref<2048x256xf32, #tpu.memory_space<hbm>> -> memref<32x256xf32, #tpu.memory_space<hbm>>
      tpu.wait_dma2 semaphore(%run_scoped3A : memref<!tpu.dma_semaphore, #tpu.memory_space<semaphore_mem>>) src(%arg8 : memref<32x256xf32, #tpu.memory_space<vmem>>) dst(%dma_wait3A_24 : memref<32x256xf32, #tpu.memory_space<hbm>>)
      tpu.yield
    }) : () -> ()
    return
  }
}

module attributes {stable_mosaic.version = 14 : i64} {
  func.func @_dec_body(%arg0: i32, %arg1: memref<256x256xf32, #tpu.memory_space<vmem>>, %arg2: memref<256x256xf32, #tpu.memory_space<vmem>>, %arg3: memref<256x768xf32, #tpu.memory_space<vmem>>, %arg4: memref<16x3x256x256xf32, #tpu.memory_space<hbm>>, %arg5: memref<1x3x256x256xf32, #tpu.memory_space<vmem>>, %arg6: memref<1x1xf32, #tpu.memory_space<vmem>>) attributes {dimension_semantics = [#tpu.dimension_semantics<arbitrary>], iteration_bounds = array<i64: 8>, scalar_prefetch = 0 : i64, scratch_operands = 0 : i64, tpu.core_type = #tpu.core_type<tc>, window_params = [{transform_indices = @transform_0, window_bounds = array<i64: 256, 256>}, {transform_indices = @transform_1, window_bounds = array<i64: 256, 256>}, {pipeline_mode = #tpu.pipeline_mode<synchronous>, transform_indices = @transform_2, window_bounds = array<i64: 256, 768>}, {}, {transform_indices = @transform_4, window_bounds = array<i64: 1, 3, 256, 256>}, {pipeline_mode = #tpu.pipeline_mode<synchronous>, transform_indices = @transform_5, window_bounds = array<i64: 1, 1>}]} {
    %get3A = arith.constant 0 : index
    %get3A_0 = arith.constant 0 : index
    %get3A_1 = vector.load %arg1[%get3A, %get3A_0] : memref<256x256xf32, #tpu.memory_space<vmem>>, vector<256x256xf32>
    %get3A_2 = arith.constant 0 : index
    %get3A_3 = arith.constant 0 : index
    %get3A_4 = vector.load %arg2[%get3A_2, %get3A_3] : memref<256x256xf32, #tpu.memory_space<vmem>>, vector<256x256xf32>
    %sub3A = arith.subf %get3A_4, %get3A_1 : vector<256x256xf32>
    %add3A = arith.addf %get3A_1, %sub3A : vector<256x256xf32>
    %get3A_5 = arith.constant 0 : index
    %get3A_6 = arith.constant 0 : index
    %get3A_7 = vector.load %arg3[%get3A_5, %get3A_6] : memref<256x768xf32, #tpu.memory_space<vmem>>, vector<256x768xf32>
    %dot_general3A = arith.constant dense<0.000000e+00> : vector<256x768xf32>
    %dot_general3A_8 = tpu.matmul %add3A, %get3A_7, %dot_general3A {dimension_numbers = #tpu.dot_dimension_numbers<[1], [0], [0], [1], [0, 0, 1, 1], [], []>, transpose_lhs_hint = false} : vector<256x256xf32>, vector<256x768xf32>, vector<256x768xf32> -> vector<256x768xf32>
    %reshape3A = vector.shape_cast %dot_general3A_8 : vector<256x768xf32> to vector<1x16x16x3x16x16xf32>
    %transpose3A = tpu.transpose %reshape3A, [0, 3, 1, 4, 2, 5] : vector<1x16x16x3x16x16xf32> -> vector<1x3x16x16x16x16xf32>
    %reshape3A_9 = vector.shape_cast %transpose3A : vector<1x3x16x16x16x16xf32> to vector<1x3x256x256xf32>
    %swap3A = arith.constant 0 : index
    %swap3A_10 = arith.constant 0 : index
    %swap3A_11 = arith.constant 0 : index
    %swap3A_12 = arith.constant 0 : index
    %swap3A_13 = vector.load %arg5[%swap3A, %swap3A_10, %swap3A_11, %swap3A_12] : memref<1x3x256x256xf32, #tpu.memory_space<vmem>>, vector<1x3x256x256xf32>
    tpu.vector_store %arg5[%swap3A, %swap3A_10, %swap3A_11, %swap3A_12], %reshape3A_9 {strides = array<i32>} : memref<1x3x256x256xf32, #tpu.memory_space<vmem>>, vector<1x3x256x256xf32>,
    %sub3A_14 = arith.subf %get3A_1, %get3A_4 : vector<256x256xf32>
    %mul3A = arith.mulf %sub3A_14, %sub3A_14 : vector<256x256xf32>
    %reduce_sum3A = vector.shape_cast %mul3A : vector<256x256xf32> to vector<1x256x256xf32>
    %reduce_sum3A_15 = arith.constant dense<0.000000e+00> : vector<1xf32>
    %reduce_sum3A_16 = vector.multi_reduction <add>, %reduce_sum3A, %reduce_sum3A_15 [1, 2] : vector<1x256x256xf32> to vector<1xf32>
    %reduce_sum3A_17 = vector.shape_cast %reduce_sum3A_16 : vector<1xf32> to vector<1x1x1xf32>
    %reduce_sum3A_18 = vector.extract %reduce_sum3A_17[0, 0, 0] : f32 from vector<1x1x1xf32>
    %reshape3A_19 = vector.broadcast %reduce_sum3A_18 : f32 to vector<1x1xf32>
    %eq3A = arith.constant 0 : i32
    %eq3A_20 = arith.cmpi eq, %arg0, %eq3A : i32
    %convert_element_type3A = arith.extui %eq3A_20 : i1 to i32
    %cond3A = arith.constant 0 : i32
    %cond3A_21 = arith.cmpi ne, %convert_element_type3A, %cond3A : i32
    scf.if %cond3A_21 {
      %swap3A_26 = arith.constant 0 : index
      %swap3A_27 = arith.constant 0 : index
      %swap3A_28 = vector.load %arg6[%swap3A_26, %swap3A_27] : memref<1x1xf32, #tpu.memory_space<vmem>>, vector<1x1xf32>
      tpu.vector_store %arg6[%swap3A_26, %swap3A_27], %reshape3A_19 {strides = array<i32>} : memref<1x1xf32, #tpu.memory_space<vmem>>, vector<1x1xf32>,
    } else {
    }
    %gt3A = arith.constant 0 : i32
    %gt3A_22 = arith.cmpi sgt, %arg0, %gt3A : i32
    %convert_element_type3A_23 = arith.extui %gt3A_22 : i1 to i32
    %cond3A_24 = arith.constant 0 : i32
    %cond3A_25 = arith.cmpi ne, %convert_element_type3A_23, %cond3A_24 : i32
    scf.if %cond3A_25 {
      %get3A_26 = arith.constant 0 : index
      %get3A_27 = arith.constant 0 : index
      %get3A_28 = vector.load %arg6[%get3A_26, %get3A_27] : memref<1x1xf32, #tpu.memory_space<vmem>>, vector<1x1xf32>
      %add3A_29 = arith.addf %get3A_28, %reshape3A_19 : vector<1x1xf32>
      %swap3A_30 = arith.constant 0 : index
      %swap3A_31 = arith.constant 0 : index
      %swap3A_32 = vector.load %arg6[%swap3A_30, %swap3A_31] : memref<1x1xf32, #tpu.memory_space<vmem>>, vector<1x1xf32>
      tpu.vector_store %arg6[%swap3A_30, %swap3A_31], %add3A_29 {strides = array<i32>} : memref<1x1xf32, #tpu.memory_space<vmem>>, vector<1x1xf32>,
    } else {
    }
    return
  }
  func.func @transform_0(%arg0: i32) -> (i32, i32) {
    %c0_i32 = arith.constant 0 : i32
    %c0_i32_0 = arith.constant 0 : i32
    return %arg0, %c0_i32 : i32, i32
  }
  func.func @transform_1(%arg0: i32) -> (i32, i32) {
    %c0_i32 = arith.constant 0 : i32
    %c0_i32_0 = arith.constant 0 : i32
    return %arg0, %c0_i32 : i32, i32
  }
  func.func @transform_2(%arg0: i32) -> (i32, i32) {
    %c0_i32 = arith.constant 0 : i32
    %c0_i32_0 = arith.constant 0 : i32
    %c0_i32_1 = arith.constant 0 : i32
    return %c0_i32, %c0_i32_0 : i32, i32
  }
  func.func @transform_4(%arg0: i32) -> (i32, i32, i32, i32) {
    %add3A = arith.constant 8 : i32
    %add3A_0 = arith.addi %arg0, %add3A : i32
    %c0_i32 = arith.constant 0 : i32
    %c0_i32_1 = arith.constant 0 : i32
    %c0_i32_2 = arith.constant 0 : i32
    %c0_i32_3 = arith.constant 0 : i32
    return %add3A_0, %c0_i32, %c0_i32_1, %c0_i32_2 : i32, i32, i32, i32
  }
  func.func @transform_5(%arg0: i32) -> (i32, i32) {
    %c0_i32 = arith.constant 0 : i32
    %c0_i32_0 = arith.constant 0 : i32
    %c0_i32_1 = arith.constant 0 : i32
    return %c0_i32, %c0_i32_0 : i32, i32
  }
}

module attributes {stable_mosaic.version = 14 : i64} {
  func.func @_enc_vq_body(%arg0: i32, %arg1: memref<1x3x256x256xf32, #tpu.memory_space<vmem>>, %arg2: memref<768x256xf32, #tpu.memory_space<vmem>>, %arg3: memref<8192x256xf32, #tpu.memory_space<vmem>>, %arg4: memref<256x256xf32, #tpu.memory_space<vmem>>, %arg5: memref<1x1x256xi32, #tpu.memory_space<vmem>>, %arg6: memref<1x8192xf32, #tpu.memory_space<vmem>>) attributes {dimension_semantics = [#tpu.dimension_semantics<arbitrary>], iteration_bounds = array<i64: 8>, scalar_prefetch = 0 : i64, scratch_operands = 1 : i64, tpu.core_type = #tpu.core_type<tc>, window_params = [{transform_indices = @transform_0, window_bounds = array<i64: 1, 3, 256, 256>}, {pipeline_mode = #tpu.pipeline_mode<synchronous>, transform_indices = @transform_1, window_bounds = array<i64: 768, 256>}, {pipeline_mode = #tpu.pipeline_mode<synchronous>, transform_indices = @transform_2, window_bounds = array<i64: 8192, 256>}, {transform_indices = @transform_3, window_bounds = array<i64: 256, 256>}, {transform_indices = @transform_4, window_bounds = array<i64: 1, 1, 256>}]} {
    %eq3A = arith.constant 0 : i32
    %eq3A_0 = arith.cmpi eq, %arg0, %eq3A : i32
    %convert_element_type3A = arith.extui %eq3A_0 : i1 to i32
    %cond3A = arith.constant 0 : i32
    %cond3A_1 = arith.cmpi ne, %convert_element_type3A, %cond3A : i32
    scf.if %cond3A_1 {
      %get3A_140 = arith.constant 0 : index
      %get3A_141 = arith.constant 0 : index
      %get3A_142 = vector.load %arg3[%get3A_140, %get3A_141] : memref<8192x256xf32, #tpu.memory_space<vmem>>, vector<2048x256xf32>
      %mul3A_143 = arith.mulf %get3A_142, %get3A_142 : vector<2048x256xf32>
      %reduce_sum3A_144 = arith.constant dense<0.000000e+00> : vector<2048xf32>
      %reduce_sum3A_145 = vector.multi_reduction <add>, %mul3A_143, %reduce_sum3A_144 [1] : vector<2048x256xf32> to vector<2048xf32>
      %swap3A_146 = arith.constant 0 : index
      %swap3A_147 = arith.constant 0 : index
      %swap3A_148 = vector.load %arg6[%swap3A_146, %swap3A_147] : memref<1x8192xf32, #tpu.memory_space<vmem>>, vector<1x2048xf32>
      %swap3A_149 = vector.shape_cast %swap3A_148 : vector<1x2048xf32> to vector<2048xf32>
      %swap3A_150 = vector.shape_cast %reduce_sum3A_145 : vector<2048xf32> to vector<1x2048xf32>
      tpu.vector_store %arg6[%swap3A_146, %swap3A_147], %swap3A_150 {strides = array<i32>} : memref<1x8192xf32, #tpu.memory_space<vmem>>, vector<1x2048xf32>,
      %get3A_151 = arith.constant 2048 : index
      %get3A_152 = arith.constant 0 : index
      %get3A_153 = vector.load %arg3[%get3A_151, %get3A_152] : memref<8192x256xf32, #tpu.memory_space<vmem>>, vector<2048x256xf32>
      %mul3A_154 = arith.mulf %get3A_153, %get3A_153 : vector<2048x256xf32>
      %reduce_sum3A_155 = arith.constant dense<0.000000e+00> : vector<2048xf32>
      %reduce_sum3A_156 = vector.multi_reduction <add>, %mul3A_154, %reduce_sum3A_155 [1] : vector<2048x256xf32> to vector<2048xf32>
      %swap3A_157 = arith.constant 0 : index
      %swap3A_158 = arith.constant 2048 : index
      %swap3A_159 = vector.load %arg6[%swap3A_157, %swap3A_158] : memref<1x8192xf32, #tpu.memory_space<vmem>>, vector<1x2048xf32>
      %swap3A_160 = vector.shape_cast %swap3A_159 : vector<1x2048xf32> to vector<2048xf32>
      %swap3A_161 = vector.shape_cast %reduce_sum3A_156 : vector<2048xf32> to vector<1x2048xf32>
      tpu.vector_store %arg6[%swap3A_157, %swap3A_158], %swap3A_161 {strides = array<i32>} : memref<1x8192xf32, #tpu.memory_space<vmem>>, vector<1x2048xf32>,
      %get3A_162 = arith.constant 4096 : index
      %get3A_163 = arith.constant 0 : index
      %get3A_164 = vector.load %arg3[%get3A_162, %get3A_163] : memref<8192x256xf32, #tpu.memory_space<vmem>>, vector<2048x256xf32>
      %mul3A_165 = arith.mulf %get3A_164, %get3A_164 : vector<2048x256xf32>
      %reduce_sum3A_166 = arith.constant dense<0.000000e+00> : vector<2048xf32>
      %reduce_sum3A_167 = vector.multi_reduction <add>, %mul3A_165, %reduce_sum3A_166 [1] : vector<2048x256xf32> to vector<2048xf32>
      %swap3A_168 = arith.constant 0 : index
      %swap3A_169 = arith.constant 4096 : index
      %swap3A_170 = vector.load %arg6[%swap3A_168, %swap3A_169] : memref<1x8192xf32, #tpu.memory_space<vmem>>, vector<1x2048xf32>
      %swap3A_171 = vector.shape_cast %swap3A_170 : vector<1x2048xf32> to vector<2048xf32>
      %swap3A_172 = vector.shape_cast %reduce_sum3A_167 : vector<2048xf32> to vector<1x2048xf32>
      tpu.vector_store %arg6[%swap3A_168, %swap3A_169], %swap3A_172 {strides = array<i32>} : memref<1x8192xf32, #tpu.memory_space<vmem>>, vector<1x2048xf32>,
      %get3A_173 = arith.constant 6144 : index
      %get3A_174 = arith.constant 0 : index
      %get3A_175 = vector.load %arg3[%get3A_173, %get3A_174] : memref<8192x256xf32, #tpu.memory_space<vmem>>, vector<2048x256xf32>
      %mul3A_176 = arith.mulf %get3A_175, %get3A_175 : vector<2048x256xf32>
      %reduce_sum3A_177 = arith.constant dense<0.000000e+00> : vector<2048xf32>
      %reduce_sum3A_178 = vector.multi_reduction <add>, %mul3A_176, %reduce_sum3A_177 [1] : vector<2048x256xf32> to vector<2048xf32>
      %swap3A_179 = arith.constant 0 : index
      %swap3A_180 = arith.constant 6144 : index
      %swap3A_181 = vector.load %arg6[%swap3A_179, %swap3A_180] : memref<1x8192xf32, #tpu.memory_space<vmem>>, vector<1x2048xf32>
      %swap3A_182 = vector.shape_cast %swap3A_181 : vector<1x2048xf32> to vector<2048xf32>
      %swap3A_183 = vector.shape_cast %reduce_sum3A_178 : vector<2048xf32> to vector<1x2048xf32>
      tpu.vector_store %arg6[%swap3A_179, %swap3A_180], %swap3A_183 {strides = array<i32>} : memref<1x8192xf32, #tpu.memory_space<vmem>>, vector<1x2048xf32>,
    } else {
    }
    %get3A = arith.constant 0 : index
    %get3A_2 = arith.constant 0 : index
    %get3A_3 = arith.constant 0 : index
    %get3A_4 = arith.constant 0 : index
    %get3A_5 = vector.load %arg1[%get3A, %get3A_2, %get3A_3, %get3A_4] : memref<1x3x256x256xf32, #tpu.memory_space<vmem>>, vector<1x3x256x256xf32>
    %reshape3A = vector.shape_cast %get3A_5 : vector<1x3x256x256xf32> to vector<1x3x16x16x16x16xf32>
    %transpose3A = tpu.transpose %reshape3A, [0, 2, 4, 1, 3, 5] : vector<1x3x16x16x16x16xf32> -> vector<1x16x16x3x16x16xf32>
    %reshape3A_6 = vector.shape_cast %transpose3A : vector<1x16x16x3x16x16xf32> to vector<256x768xf32>
    %get3A_7 = arith.constant 0 : index
    %get3A_8 = arith.constant 0 : index
    %get3A_9 = vector.load %arg2[%get3A_7, %get3A_8] : memref<768x256xf32, #tpu.memory_space<vmem>>, vector<768x256xf32>
    %dot_general3A = arith.constant dense<0.000000e+00> : vector<256x256xf32>
    %dot_general3A_10 = tpu.matmul %reshape3A_6, %get3A_9, %dot_general3A {dimension_numbers = #tpu.dot_dimension_numbers<[1], [0], [0], [1], [0, 0, 1, 1], [], []>, transpose_lhs_hint = false} : vector<256x768xf32>, vector<768x256xf32>, vector<256x256xf32> -> vector<256x256xf32>
    %swap3A = arith.constant 0 : index
    %swap3A_11 = arith.constant 0 : index
    %swap3A_12 = vector.load %arg4[%swap3A, %swap3A_11] : memref<256x256xf32, #tpu.memory_space<vmem>>, vector<256x256xf32>
    tpu.vector_store %arg4[%swap3A, %swap3A_11], %dot_general3A_10 {strides = array<i32>} : memref<256x256xf32, #tpu.memory_space<vmem>>, vector<256x256xf32>,
    %mul3A = arith.mulf %dot_general3A_10, %dot_general3A_10 : vector<256x256xf32>
    %reduce_sum3A = arith.constant dense<0.000000e+00> : vector<256xf32>
    %reduce_sum3A_13 = vector.multi_reduction <add>, %mul3A, %reduce_sum3A [1] : vector<256x256xf32> to vector<256xf32>
    %broadcast_in_dim3A = vector.shape_cast %reduce_sum3A_13 : vector<256xf32> to vector<256x1xf32>
    %get3A_14 = arith.constant 0 : index
    %get3A_15 = arith.constant 0 : index
    %get3A_16 = vector.load %arg3[%get3A_14, %get3A_15] : memref<8192x256xf32, #tpu.memory_space<vmem>>, vector<2048x256xf32>
    %get3A_17 = arith.constant 0 : index
    %get3A_18 = arith.constant 0 : index
    %get3A_19 = vector.load %arg6[%get3A_17, %get3A_18] : memref<1x8192xf32, #tpu.memory_space<vmem>>, vector<1x2048xf32>
    %dot_general3A_20 = arith.constant dense<0.000000e+00> : vector<256x2048xf32>
    %dot_general3A_21 = tpu.matmul %dot_general3A_10, %get3A_16, %dot_general3A_20 {dimension_numbers = #tpu.dot_dimension_numbers<[1], [1], [0], [0], [0, 0, 1, 0], [], []>, transpose_lhs_hint = false} : vector<256x256xf32>, vector<2048x256xf32>, vector<256x2048xf32> -> vector<256x2048xf32>
    %add3A = vector.broadcast %broadcast_in_dim3A : vector<256x1xf32> to vector<256x2048xf32>
    %add3A_22 = vector.broadcast %get3A_19 : vector<1x2048xf32> to vector<256x2048xf32>
    %add3A_23 = arith.addf %add3A, %add3A_22 : vector<256x2048xf32>
    %mul3A_24 = arith.constant 2.000000e+00 : f32
    %mul3A_25 = vector.broadcast %mul3A_24 : f32 to vector<256x2048xf32>
    %mul3A_26 = arith.mulf %mul3A_25, %dot_general3A_21 : vector<256x2048xf32>
    %sub3A = arith.subf %add3A_23, %mul3A_26 : vector<256x2048xf32>
    %reduce_min3A = arith.constant dense<0x7F800000> : vector<256xf32>
    %reduce_min3A_27 = vector.multi_reduction <minimumf>, %sub3A, %reduce_min3A [1] : vector<256x2048xf32> to vector<256xf32>
    %broadcast_in_dim3A_28 = vector.shape_cast %reduce_min3A_27 : vector<256xf32> to vector<256x1xf32>
    %iota3A = tpu.iota {dimensions = array<i32: 1>} : vector<256x2048xi32>
    %add3A_29 = arith.constant 0 : i32
    %add3A_30 = vector.broadcast %add3A_29 : i32 to vector<256x2048xi32>
    %add3A_31 = arith.addi %iota3A, %add3A_30 : vector<256x2048xi32>
    %eq3A_32 = vector.broadcast %broadcast_in_dim3A_28 : vector<256x1xf32> to vector<256x2048xf32>
    %eq3A_33 = arith.cmpf oeq, %sub3A, %eq3A_32 : vector<256x2048xf32>
    %jit3A = arith.constant 8192 : i32
    %broadcast_in_dim3A_34 = vector.broadcast %jit3A : i32 to vector<256x2048xi32>
    %select_n3A = arith.select %eq3A_33, %add3A_31, %broadcast_in_dim3A_34 : vector<256x2048xi1>, vector<256x2048xi32>
    %reduce_min3A_35 = arith.constant dense<2147483647> : vector<256xi32>
    %reduce_min3A_36 = vector.multi_reduction <minsi>, %select_n3A, %reduce_min3A_35 [1] : vector<256x2048xi32> to vector<256xi32>
    %broadcast_in_dim3A_37 = vector.shape_cast %reduce_min3A_36 : vector<256xi32> to vector<256x1xi32>
    %get3A_38 = arith.constant 2048 : index
    %get3A_39 = arith.constant 0 : index
    %get3A_40 = vector.load %arg3[%get3A_38, %get3A_39] : memref<8192x256xf32, #tpu.memory_space<vmem>>, vector<2048x256xf32>
    %get3A_41 = arith.constant 0 : index
    %get3A_42 = arith.constant 2048 : index
    %get3A_43 = vector.load %arg6[%get3A_41, %get3A_42] : memref<1x8192xf32, #tpu.memory_space<vmem>>, vector<1x2048xf32>
    %dot_general3A_44 = arith.constant dense<0.000000e+00> : vector<256x2048xf32>
    %dot_general3A_45 = tpu.matmul %dot_general3A_10, %get3A_40, %dot_general3A_44 {dimension_numbers = #tpu.dot_dimension_numbers<[1], [1], [0], [0], [0, 0, 1, 0], [], []>, transpose_lhs_hint = false} : vector<256x256xf32>, vector<2048x256xf32>, vector<256x2048xf32> -> vector<256x2048xf32>
    %add3A_46 = vector.broadcast %broadcast_in_dim3A : vector<256x1xf32> to vector<256x2048xf32>
    %add3A_47 = vector.broadcast %get3A_43 : vector<1x2048xf32> to vector<256x2048xf32>
    %add3A_48 = arith.addf %add3A_46, %add3A_47 : vector<256x2048xf32>
    %mul3A_49 = arith.constant 2.000000e+00 : f32
    %mul3A_50 = vector.broadcast %mul3A_49 : f32 to vector<256x2048xf32>
    %mul3A_51 = arith.mulf %mul3A_50, %dot_general3A_45 : vector<256x2048xf32>
    %sub3A_52 = arith.subf %add3A_48, %mul3A_51 : vector<256x2048xf32>
    %reduce_min3A_53 = arith.constant dense<0x7F800000> : vector<256xf32>
    %reduce_min3A_54 = vector.multi_reduction <minimumf>, %sub3A_52, %reduce_min3A_53 [1] : vector<256x2048xf32> to vector<256xf32>
    %broadcast_in_dim3A_55 = vector.shape_cast %reduce_min3A_54 : vector<256xf32> to vector<256x1xf32>
    %iota3A_56 = tpu.iota {dimensions = array<i32: 1>} : vector<256x2048xi32>
    %add3A_57 = arith.constant 2048 : i32
    %add3A_58 = vector.broadcast %add3A_57 : i32 to vector<256x2048xi32>
    %add3A_59 = arith.addi %iota3A_56, %add3A_58 : vector<256x2048xi32>
    %eq3A_60 = vector.broadcast %broadcast_in_dim3A_55 : vector<256x1xf32> to vector<256x2048xf32>
    %eq3A_61 = arith.cmpf oeq, %sub3A_52, %eq3A_60 : vector<256x2048xf32>
    %jit3A_62 = arith.constant 8192 : i32
    %broadcast_in_dim3A_63 = vector.broadcast %jit3A_62 : i32 to vector<256x2048xi32>
    %select_n3A_64 = arith.select %eq3A_61, %add3A_59, %broadcast_in_dim3A_63 : vector<256x2048xi1>, vector<256x2048xi32>
    %reduce_min3A_65 = arith.constant dense<2147483647> : vector<256xi32>
    %reduce_min3A_66 = vector.multi_reduction <minsi>, %select_n3A_64, %reduce_min3A_65 [1] : vector<256x2048xi32> to vector<256xi32>
    %broadcast_in_dim3A_67 = vector.shape_cast %reduce_min3A_66 : vector<256xi32> to vector<256x1xi32>
    %lt3A = arith.cmpf olt, %broadcast_in_dim3A_55, %broadcast_in_dim3A_28 : vector<256x1xf32>
    %select_n3A_68 = arith.select %lt3A, %broadcast_in_dim3A_67, %broadcast_in_dim3A_37 : vector<256x1xi1>, vector<256x1xi32>
    %select_n3A_69 = arith.select %lt3A, %broadcast_in_dim3A_55, %broadcast_in_dim3A_28 : vector<256x1xi1>, vector<256x1xf32>
    %get3A_70 = arith.constant 4096 : index
    %get3A_71 = arith.constant 0 : index
    %get3A_72 = vector.load %arg3[%get3A_70, %get3A_71] : memref<8192x256xf32, #tpu.memory_space<vmem>>, vector<2048x256xf32>
    %get3A_73 = arith.constant 0 : index
    %get3A_74 = arith.constant 4096 : index
    %get3A_75 = vector.load %arg6[%get3A_73, %get3A_74] : memref<1x8192xf32, #tpu.memory_space<vmem>>, vector<1x2048xf32>
    %dot_general3A_76 = arith.constant dense<0.000000e+00> : vector<256x2048xf32>
    %dot_general3A_77 = tpu.matmul %dot_general3A_10, %get3A_72, %dot_general3A_76 {dimension_numbers = #tpu.dot_dimension_numbers<[1], [1], [0], [0], [0, 0, 1, 0], [], []>, transpose_lhs_hint = false} : vector<256x256xf32>, vector<2048x256xf32>, vector<256x2048xf32> -> vector<256x2048xf32>
    %add3A_78 = vector.broadcast %broadcast_in_dim3A : vector<256x1xf32> to vector<256x2048xf32>
    %add3A_79 = vector.broadcast %get3A_75 : vector<1x2048xf32> to vector<256x2048xf32>
    %add3A_80 = arith.addf %add3A_78, %add3A_79 : vector<256x2048xf32>
    %mul3A_81 = arith.constant 2.000000e+00 : f32
    %mul3A_82 = vector.broadcast %mul3A_81 : f32 to vector<256x2048xf32>
    %mul3A_83 = arith.mulf %mul3A_82, %dot_general3A_77 : vector<256x2048xf32>
    %sub3A_84 = arith.subf %add3A_80, %mul3A_83 : vector<256x2048xf32>
    %reduce_min3A_85 = arith.constant dense<0x7F800000> : vector<256xf32>
    %reduce_min3A_86 = vector.multi_reduction <minimumf>, %sub3A_84, %reduce_min3A_85 [1] : vector<256x2048xf32> to vector<256xf32>
    %broadcast_in_dim3A_87 = vector.shape_cast %reduce_min3A_86 : vector<256xf32> to vector<256x1xf32>
    %iota3A_88 = tpu.iota {dimensions = array<i32: 1>} : vector<256x2048xi32>
    %add3A_89 = arith.constant 4096 : i32
    %add3A_90 = vector.broadcast %add3A_89 : i32 to vector<256x2048xi32>
    %add3A_91 = arith.addi %iota3A_88, %add3A_90 : vector<256x2048xi32>
    %eq3A_92 = vector.broadcast %broadcast_in_dim3A_87 : vector<256x1xf32> to vector<256x2048xf32>
    %eq3A_93 = arith.cmpf oeq, %sub3A_84, %eq3A_92 : vector<256x2048xf32>
    %jit3A_94 = arith.constant 8192 : i32
    %broadcast_in_dim3A_95 = vector.broadcast %jit3A_94 : i32 to vector<256x2048xi32>
    %select_n3A_96 = arith.select %eq3A_93, %add3A_91, %broadcast_in_dim3A_95 : vector<256x2048xi1>, vector<256x2048xi32>
    %reduce_min3A_97 = arith.constant dense<2147483647> : vector<256xi32>
    %reduce_min3A_98 = vector.multi_reduction <minsi>, %select_n3A_96, %reduce_min3A_97 [1] : vector<256x2048xi32> to vector<256xi32>
    %broadcast_in_dim3A_99 = vector.shape_cast %reduce_min3A_98 : vector<256xi32> to vector<256x1xi32>
    %lt3A_100 = arith.cmpf olt, %broadcast_in_dim3A_87, %select_n3A_69 : vector<256x1xf32>
    %select_n3A_101 = arith.select %lt3A_100, %broadcast_in_dim3A_99, %select_n3A_68 : vector<256x1xi1>, vector<256x1xi32>
    %select_n3A_102 = arith.select %lt3A_100, %broadcast_in_dim3A_87, %select_n3A_69 : vector<256x1xi1>, vector<256x1xf32>
    %get3A_103 = arith.constant 6144 : index
    %get3A_104 = arith.constant 0 : index
    %get3A_105 = vector.load %arg3[%get3A_103, %get3A_104] : memref<8192x256xf32, #tpu.memory_space<vmem>>, vector<2048x256xf32>
    %get3A_106 = arith.constant 0 : index
    %get3A_107 = arith.constant 6144 : index
    %get3A_108 = vector.load %arg6[%get3A_106, %get3A_107] : memref<1x8192xf32, #tpu.memory_space<vmem>>, vector<1x2048xf32>
    %dot_general3A_109 = arith.constant dense<0.000000e+00> : vector<256x2048xf32>
    %dot_general3A_110 = tpu.matmul %dot_general3A_10, %get3A_105, %dot_general3A_109 {dimension_numbers = #tpu.dot_dimension_numbers<[1], [1], [0], [0], [0, 0, 1, 0], [], []>, transpose_lhs_hint = false} : vector<256x256xf32>, vector<2048x256xf32>, vector<256x2048xf32> -> vector<256x2048xf32>
    %add3A_111 = vector.broadcast %broadcast_in_dim3A : vector<256x1xf32> to vector<256x2048xf32>
    %add3A_112 = vector.broadcast %get3A_108 : vector<1x2048xf32> to vector<256x2048xf32>
    %add3A_113 = arith.addf %add3A_111, %add3A_112 : vector<256x2048xf32>
    %mul3A_114 = arith.constant 2.000000e+00 : f32
    %mul3A_115 = vector.broadcast %mul3A_114 : f32 to vector<256x2048xf32>
    %mul3A_116 = arith.mulf %mul3A_115, %dot_general3A_110 : vector<256x2048xf32>
    %sub3A_117 = arith.subf %add3A_113, %mul3A_116 : vector<256x2048xf32>
    %reduce_min3A_118 = arith.constant dense<0x7F800000> : vector<256xf32>
    %reduce_min3A_119 = vector.multi_reduction <minimumf>, %sub3A_117, %reduce_min3A_118 [1] : vector<256x2048xf32> to vector<256xf32>
    %broadcast_in_dim3A_120 = vector.shape_cast %reduce_min3A_119 : vector<256xf32> to vector<256x1xf32>
    %iota3A_121 = tpu.iota {dimensions = array<i32: 1>} : vector<256x2048xi32>
    %add3A_122 = arith.constant 6144 : i32
    %add3A_123 = vector.broadcast %add3A_122 : i32 to vector<256x2048xi32>
    %add3A_124 = arith.addi %iota3A_121, %add3A_123 : vector<256x2048xi32>
    %eq3A_125 = vector.broadcast %broadcast_in_dim3A_120 : vector<256x1xf32> to vector<256x2048xf32>
    %eq3A_126 = arith.cmpf oeq, %sub3A_117, %eq3A_125 : vector<256x2048xf32>
    %jit3A_127 = arith.constant 8192 : i32
    %broadcast_in_dim3A_128 = vector.broadcast %jit3A_127 : i32 to vector<256x2048xi32>
    %select_n3A_129 = arith.select %eq3A_126, %add3A_124, %broadcast_in_dim3A_128 : vector<256x2048xi1>, vector<256x2048xi32>
    %reduce_min3A_130 = arith.constant dense<2147483647> : vector<256xi32>
    %reduce_min3A_131 = vector.multi_reduction <minsi>, %select_n3A_129, %reduce_min3A_130 [1] : vector<256x2048xi32> to vector<256xi32>
    %broadcast_in_dim3A_132 = vector.shape_cast %reduce_min3A_131 : vector<256xi32> to vector<256x1xi32>
    %lt3A_133 = arith.cmpf olt, %broadcast_in_dim3A_120, %select_n3A_102 : vector<256x1xf32>
    %select_n3A_134 = arith.select %lt3A_133, %broadcast_in_dim3A_132, %select_n3A_101 : vector<256x1xi1>, vector<256x1xi32>
    %squeeze3A = vector.shape_cast %select_n3A_134 : vector<256x1xi32> to vector<256xi32>
    %reshape3A_135 = vector.shape_cast %squeeze3A : vector<256xi32> to vector<1x1x256xi32>
    %swap3A_136 = arith.constant 0 : index
    %swap3A_137 = arith.constant 0 : index
    %swap3A_138 = arith.constant 0 : index
    %swap3A_139 = vector.load %arg5[%swap3A_136, %swap3A_137, %swap3A_138] : memref<1x1x256xi32, #tpu.memory_space<vmem>>, vector<1x1x256xi32>
    tpu.vector_store %arg5[%swap3A_136, %swap3A_137, %swap3A_138], %reshape3A_135 {strides = array<i32>} : memref<1x1x256xi32, #tpu.memory_space<vmem>>, vector<1x1x256xi32>,
    return
  }
  func.func @transform_0(%arg0: i32) -> (i32, i32, i32, i32) {
    %add3A = arith.constant 0 : i32
    %add3A_0 = arith.addi %arg0, %add3A : i32
    %c0_i32 = arith.constant 0 : i32
    %c0_i32_1 = arith.constant 0 : i32
    %c0_i32_2 = arith.constant 0 : i32
    %c0_i32_3 = arith.constant 0 : i32
    return %add3A_0, %c0_i32, %c0_i32_1, %c0_i32_2 : i32, i32, i32, i32
  }
  func.func @transform_1(%arg0: i32) -> (i32, i32) {
    %c0_i32 = arith.constant 0 : i32
    %c0_i32_0 = arith.constant 0 : i32
    %c0_i32_1 = arith.constant 0 : i32
    return %c0_i32, %c0_i32_0 : i32, i32
  }
  func.func @transform_2(%arg0: i32) -> (i32, i32) {
    %c0_i32 = arith.constant 0 : i32
    %c0_i32_0 = arith.constant 0 : i32
    %c0_i32_1 = arith.constant 0 : i32
    return %c0_i32, %c0_i32_0 : i32, i32
  }
  func.func @transform_3(%arg0: i32) -> (i32, i32) {
    %c0_i32 = arith.constant 0 : i32
    %c0_i32_0 = arith.constant 0 : i32
    return %arg0, %c0_i32 : i32, i32
  }
  func.func @transform_4(%arg0: i32) -> (i32, i32, i32) {
    %c0_i32 = arith.constant 0 : i32
    %c0_i32_0 = arith.constant 0 : i32
    %c0_i32_1 = arith.constant 0 : i32
    return %arg0, %c0_i32, %c0_i32_0 : i32, i32, i32
  }
}

module attributes {stable_mosaic.version = 14 : i64} {
  func.func @_enc_vq_body(%arg0: i32, %arg1: memref<1x3x256x256xf32, #tpu.memory_space<vmem>>, %arg2: memref<768x256xf32, #tpu.memory_space<vmem>>, %arg3: memref<8192x256xf32, #tpu.memory_space<vmem>>, %arg4: memref<256x256xf32, #tpu.memory_space<vmem>>, %arg5: memref<1x1x256xi32, #tpu.memory_space<vmem>>, %arg6: memref<1x8192xf32, #tpu.memory_space<vmem>>) attributes {dimension_semantics = [#tpu.dimension_semantics<arbitrary>], iteration_bounds = array<i64: 8>, scalar_prefetch = 0 : i64, scratch_operands = 1 : i64, tpu.core_type = #tpu.core_type<tc>, window_params = [{transform_indices = @transform_0, window_bounds = array<i64: 1, 3, 256, 256>}, {pipeline_mode = #tpu.pipeline_mode<synchronous>, transform_indices = @transform_1, window_bounds = array<i64: 768, 256>}, {pipeline_mode = #tpu.pipeline_mode<synchronous>, transform_indices = @transform_2, window_bounds = array<i64: 8192, 256>}, {transform_indices = @transform_3, window_bounds = array<i64: 256, 256>}, {transform_indices = @transform_4, window_bounds = array<i64: 1, 1, 256>}]} {
    %eq3A = arith.constant 0 : i32
    %eq3A_0 = arith.cmpi eq, %arg0, %eq3A : i32
    %convert_element_type3A = arith.extui %eq3A_0 : i1 to i32
    %cond3A = arith.constant 0 : i32
    %cond3A_1 = arith.cmpi ne, %convert_element_type3A, %cond3A : i32
    scf.if %cond3A_1 {
      %get3A_140 = arith.constant 0 : index
      %get3A_141 = arith.constant 0 : index
      %get3A_142 = vector.load %arg3[%get3A_140, %get3A_141] : memref<8192x256xf32, #tpu.memory_space<vmem>>, vector<2048x256xf32>
      %mul3A_143 = arith.mulf %get3A_142, %get3A_142 : vector<2048x256xf32>
      %reduce_sum3A_144 = arith.constant dense<0.000000e+00> : vector<2048xf32>
      %reduce_sum3A_145 = vector.multi_reduction <add>, %mul3A_143, %reduce_sum3A_144 [1] : vector<2048x256xf32> to vector<2048xf32>
      %swap3A_146 = arith.constant 0 : index
      %swap3A_147 = arith.constant 0 : index
      %swap3A_148 = vector.load %arg6[%swap3A_146, %swap3A_147] : memref<1x8192xf32, #tpu.memory_space<vmem>>, vector<1x2048xf32>
      %swap3A_149 = vector.shape_cast %swap3A_148 : vector<1x2048xf32> to vector<2048xf32>
      %swap3A_150 = vector.shape_cast %reduce_sum3A_145 : vector<2048xf32> to vector<1x2048xf32>
      tpu.vector_store %arg6[%swap3A_146, %swap3A_147], %swap3A_150 {strides = array<i32>} : memref<1x8192xf32, #tpu.memory_space<vmem>>, vector<1x2048xf32>,
      %get3A_151 = arith.constant 2048 : index
      %get3A_152 = arith.constant 0 : index
      %get3A_153 = vector.load %arg3[%get3A_151, %get3A_152] : memref<8192x256xf32, #tpu.memory_space<vmem>>, vector<2048x256xf32>
      %mul3A_154 = arith.mulf %get3A_153, %get3A_153 : vector<2048x256xf32>
      %reduce_sum3A_155 = arith.constant dense<0.000000e+00> : vector<2048xf32>
      %reduce_sum3A_156 = vector.multi_reduction <add>, %mul3A_154, %reduce_sum3A_155 [1] : vector<2048x256xf32> to vector<2048xf32>
      %swap3A_157 = arith.constant 0 : index
      %swap3A_158 = arith.constant 2048 : index
      %swap3A_159 = vector.load %arg6[%swap3A_157, %swap3A_158] : memref<1x8192xf32, #tpu.memory_space<vmem>>, vector<1x2048xf32>
      %swap3A_160 = vector.shape_cast %swap3A_159 : vector<1x2048xf32> to vector<2048xf32>
      %swap3A_161 = vector.shape_cast %reduce_sum3A_156 : vector<2048xf32> to vector<1x2048xf32>
      tpu.vector_store %arg6[%swap3A_157, %swap3A_158], %swap3A_161 {strides = array<i32>} : memref<1x8192xf32, #tpu.memory_space<vmem>>, vector<1x2048xf32>,
      %get3A_162 = arith.constant 4096 : index
      %get3A_163 = arith.constant 0 : index
      %get3A_164 = vector.load %arg3[%get3A_162, %get3A_163] : memref<8192x256xf32, #tpu.memory_space<vmem>>, vector<2048x256xf32>
      %mul3A_165 = arith.mulf %get3A_164, %get3A_164 : vector<2048x256xf32>
      %reduce_sum3A_166 = arith.constant dense<0.000000e+00> : vector<2048xf32>
      %reduce_sum3A_167 = vector.multi_reduction <add>, %mul3A_165, %reduce_sum3A_166 [1] : vector<2048x256xf32> to vector<2048xf32>
      %swap3A_168 = arith.constant 0 : index
      %swap3A_169 = arith.constant 4096 : index
      %swap3A_170 = vector.load %arg6[%swap3A_168, %swap3A_169] : memref<1x8192xf32, #tpu.memory_space<vmem>>, vector<1x2048xf32>
      %swap3A_171 = vector.shape_cast %swap3A_170 : vector<1x2048xf32> to vector<2048xf32>
      %swap3A_172 = vector.shape_cast %reduce_sum3A_167 : vector<2048xf32> to vector<1x2048xf32>
      tpu.vector_store %arg6[%swap3A_168, %swap3A_169], %swap3A_172 {strides = array<i32>} : memref<1x8192xf32, #tpu.memory_space<vmem>>, vector<1x2048xf32>,
      %get3A_173 = arith.constant 6144 : index
      %get3A_174 = arith.constant 0 : index
      %get3A_175 = vector.load %arg3[%get3A_173, %get3A_174] : memref<8192x256xf32, #tpu.memory_space<vmem>>, vector<2048x256xf32>
      %mul3A_176 = arith.mulf %get3A_175, %get3A_175 : vector<2048x256xf32>
      %reduce_sum3A_177 = arith.constant dense<0.000000e+00> : vector<2048xf32>
      %reduce_sum3A_178 = vector.multi_reduction <add>, %mul3A_176, %reduce_sum3A_177 [1] : vector<2048x256xf32> to vector<2048xf32>
      %swap3A_179 = arith.constant 0 : index
      %swap3A_180 = arith.constant 6144 : index
      %swap3A_181 = vector.load %arg6[%swap3A_179, %swap3A_180] : memref<1x8192xf32, #tpu.memory_space<vmem>>, vector<1x2048xf32>
      %swap3A_182 = vector.shape_cast %swap3A_181 : vector<1x2048xf32> to vector<2048xf32>
      %swap3A_183 = vector.shape_cast %reduce_sum3A_178 : vector<2048xf32> to vector<1x2048xf32>
      tpu.vector_store %arg6[%swap3A_179, %swap3A_180], %swap3A_183 {strides = array<i32>} : memref<1x8192xf32, #tpu.memory_space<vmem>>, vector<1x2048xf32>,
    } else {
    }
    %get3A = arith.constant 0 : index
    %get3A_2 = arith.constant 0 : index
    %get3A_3 = arith.constant 0 : index
    %get3A_4 = arith.constant 0 : index
    %get3A_5 = vector.load %arg1[%get3A, %get3A_2, %get3A_3, %get3A_4] : memref<1x3x256x256xf32, #tpu.memory_space<vmem>>, vector<1x3x256x256xf32>
    %reshape3A = vector.shape_cast %get3A_5 : vector<1x3x256x256xf32> to vector<1x3x16x16x16x16xf32>
    %transpose3A = tpu.transpose %reshape3A, [0, 2, 4, 1, 3, 5] : vector<1x3x16x16x16x16xf32> -> vector<1x16x16x3x16x16xf32>
    %reshape3A_6 = vector.shape_cast %transpose3A : vector<1x16x16x3x16x16xf32> to vector<256x768xf32>
    %get3A_7 = arith.constant 0 : index
    %get3A_8 = arith.constant 0 : index
    %get3A_9 = vector.load %arg2[%get3A_7, %get3A_8] : memref<768x256xf32, #tpu.memory_space<vmem>>, vector<768x256xf32>
    %dot_general3A = arith.constant dense<0.000000e+00> : vector<256x256xf32>
    %dot_general3A_10 = tpu.matmul %reshape3A_6, %get3A_9, %dot_general3A {dimension_numbers = #tpu.dot_dimension_numbers<[1], [0], [0], [1], [0, 0, 1, 1], [], []>, transpose_lhs_hint = false} : vector<256x768xf32>, vector<768x256xf32>, vector<256x256xf32> -> vector<256x256xf32>
    %swap3A = arith.constant 0 : index
    %swap3A_11 = arith.constant 0 : index
    %swap3A_12 = vector.load %arg4[%swap3A, %swap3A_11] : memref<256x256xf32, #tpu.memory_space<vmem>>, vector<256x256xf32>
    tpu.vector_store %arg4[%swap3A, %swap3A_11], %dot_general3A_10 {strides = array<i32>} : memref<256x256xf32, #tpu.memory_space<vmem>>, vector<256x256xf32>,
    %mul3A = arith.mulf %dot_general3A_10, %dot_general3A_10 : vector<256x256xf32>
    %reduce_sum3A = arith.constant dense<0.000000e+00> : vector<256xf32>
    %reduce_sum3A_13 = vector.multi_reduction <add>, %mul3A, %reduce_sum3A [1] : vector<256x256xf32> to vector<256xf32>
    %broadcast_in_dim3A = vector.shape_cast %reduce_sum3A_13 : vector<256xf32> to vector<256x1xf32>
    %get3A_14 = arith.constant 0 : index
    %get3A_15 = arith.constant 0 : index
    %get3A_16 = vector.load %arg3[%get3A_14, %get3A_15] : memref<8192x256xf32, #tpu.memory_space<vmem>>, vector<2048x256xf32>
    %get3A_17 = arith.constant 0 : index
    %get3A_18 = arith.constant 0 : index
    %get3A_19 = vector.load %arg6[%get3A_17, %get3A_18] : memref<1x8192xf32, #tpu.memory_space<vmem>>, vector<1x2048xf32>
    %dot_general3A_20 = arith.constant dense<0.000000e+00> : vector<256x2048xf32>
    %dot_general3A_21 = tpu.matmul %dot_general3A_10, %get3A_16, %dot_general3A_20 {dimension_numbers = #tpu.dot_dimension_numbers<[1], [1], [0], [0], [0, 0, 1, 0], [], []>, transpose_lhs_hint = false} : vector<256x256xf32>, vector<2048x256xf32>, vector<256x2048xf32> -> vector<256x2048xf32>
    %add3A = vector.broadcast %broadcast_in_dim3A : vector<256x1xf32> to vector<256x2048xf32>
    %add3A_22 = vector.broadcast %get3A_19 : vector<1x2048xf32> to vector<256x2048xf32>
    %add3A_23 = arith.addf %add3A, %add3A_22 : vector<256x2048xf32>
    %mul3A_24 = arith.constant 2.000000e+00 : f32
    %mul3A_25 = vector.broadcast %mul3A_24 : f32 to vector<256x2048xf32>
    %mul3A_26 = arith.mulf %mul3A_25, %dot_general3A_21 : vector<256x2048xf32>
    %sub3A = arith.subf %add3A_23, %mul3A_26 : vector<256x2048xf32>
    %reduce_min3A = arith.constant dense<0x7F800000> : vector<256xf32>
    %reduce_min3A_27 = vector.multi_reduction <minimumf>, %sub3A, %reduce_min3A [1] : vector<256x2048xf32> to vector<256xf32>
    %broadcast_in_dim3A_28 = vector.shape_cast %reduce_min3A_27 : vector<256xf32> to vector<256x1xf32>
    %iota3A = tpu.iota {dimensions = array<i32: 1>} : vector<256x2048xi32>
    %add3A_29 = arith.constant 0 : i32
    %add3A_30 = vector.broadcast %add3A_29 : i32 to vector<256x2048xi32>
    %add3A_31 = arith.addi %iota3A, %add3A_30 : vector<256x2048xi32>
    %eq3A_32 = vector.broadcast %broadcast_in_dim3A_28 : vector<256x1xf32> to vector<256x2048xf32>
    %eq3A_33 = arith.cmpf oeq, %sub3A, %eq3A_32 : vector<256x2048xf32>
    %jit3A = arith.constant 8192 : i32
    %broadcast_in_dim3A_34 = vector.broadcast %jit3A : i32 to vector<256x2048xi32>
    %select_n3A = arith.select %eq3A_33, %add3A_31, %broadcast_in_dim3A_34 : vector<256x2048xi1>, vector<256x2048xi32>
    %reduce_min3A_35 = arith.constant dense<2147483647> : vector<256xi32>
    %reduce_min3A_36 = vector.multi_reduction <minsi>, %select_n3A, %reduce_min3A_35 [1] : vector<256x2048xi32> to vector<256xi32>
    %broadcast_in_dim3A_37 = vector.shape_cast %reduce_min3A_36 : vector<256xi32> to vector<256x1xi32>
    %get3A_38 = arith.constant 2048 : index
    %get3A_39 = arith.constant 0 : index
    %get3A_40 = vector.load %arg3[%get3A_38, %get3A_39] : memref<8192x256xf32, #tpu.memory_space<vmem>>, vector<2048x256xf32>
    %get3A_41 = arith.constant 0 : index
    %get3A_42 = arith.constant 2048 : index
    %get3A_43 = vector.load %arg6[%get3A_41, %get3A_42] : memref<1x8192xf32, #tpu.memory_space<vmem>>, vector<1x2048xf32>
    %dot_general3A_44 = arith.constant dense<0.000000e+00> : vector<256x2048xf32>
    %dot_general3A_45 = tpu.matmul %dot_general3A_10, %get3A_40, %dot_general3A_44 {dimension_numbers = #tpu.dot_dimension_numbers<[1], [1], [0], [0], [0, 0, 1, 0], [], []>, transpose_lhs_hint = false} : vector<256x256xf32>, vector<2048x256xf32>, vector<256x2048xf32> -> vector<256x2048xf32>
    %add3A_46 = vector.broadcast %broadcast_in_dim3A : vector<256x1xf32> to vector<256x2048xf32>
    %add3A_47 = vector.broadcast %get3A_43 : vector<1x2048xf32> to vector<256x2048xf32>
    %add3A_48 = arith.addf %add3A_46, %add3A_47 : vector<256x2048xf32>
    %mul3A_49 = arith.constant 2.000000e+00 : f32
    %mul3A_50 = vector.broadcast %mul3A_49 : f32 to vector<256x2048xf32>
    %mul3A_51 = arith.mulf %mul3A_50, %dot_general3A_45 : vector<256x2048xf32>
    %sub3A_52 = arith.subf %add3A_48, %mul3A_51 : vector<256x2048xf32>
    %reduce_min3A_53 = arith.constant dense<0x7F800000> : vector<256xf32>
    %reduce_min3A_54 = vector.multi_reduction <minimumf>, %sub3A_52, %reduce_min3A_53 [1] : vector<256x2048xf32> to vector<256xf32>
    %broadcast_in_dim3A_55 = vector.shape_cast %reduce_min3A_54 : vector<256xf32> to vector<256x1xf32>
    %iota3A_56 = tpu.iota {dimensions = array<i32: 1>} : vector<256x2048xi32>
    %add3A_57 = arith.constant 2048 : i32
    %add3A_58 = vector.broadcast %add3A_57 : i32 to vector<256x2048xi32>
    %add3A_59 = arith.addi %iota3A_56, %add3A_58 : vector<256x2048xi32>
    %eq3A_60 = vector.broadcast %broadcast_in_dim3A_55 : vector<256x1xf32> to vector<256x2048xf32>
    %eq3A_61 = arith.cmpf oeq, %sub3A_52, %eq3A_60 : vector<256x2048xf32>
    %jit3A_62 = arith.constant 8192 : i32
    %broadcast_in_dim3A_63 = vector.broadcast %jit3A_62 : i32 to vector<256x2048xi32>
    %select_n3A_64 = arith.select %eq3A_61, %add3A_59, %broadcast_in_dim3A_63 : vector<256x2048xi1>, vector<256x2048xi32>
    %reduce_min3A_65 = arith.constant dense<2147483647> : vector<256xi32>
    %reduce_min3A_66 = vector.multi_reduction <minsi>, %select_n3A_64, %reduce_min3A_65 [1] : vector<256x2048xi32> to vector<256xi32>
    %broadcast_in_dim3A_67 = vector.shape_cast %reduce_min3A_66 : vector<256xi32> to vector<256x1xi32>
    %lt3A = arith.cmpf olt, %broadcast_in_dim3A_55, %broadcast_in_dim3A_28 : vector<256x1xf32>
    %select_n3A_68 = arith.select %lt3A, %broadcast_in_dim3A_67, %broadcast_in_dim3A_37 : vector<256x1xi1>, vector<256x1xi32>
    %select_n3A_69 = arith.select %lt3A, %broadcast_in_dim3A_55, %broadcast_in_dim3A_28 : vector<256x1xi1>, vector<256x1xf32>
    %get3A_70 = arith.constant 4096 : index
    %get3A_71 = arith.constant 0 : index
    %get3A_72 = vector.load %arg3[%get3A_70, %get3A_71] : memref<8192x256xf32, #tpu.memory_space<vmem>>, vector<2048x256xf32>
    %get3A_73 = arith.constant 0 : index
    %get3A_74 = arith.constant 4096 : index
    %get3A_75 = vector.load %arg6[%get3A_73, %get3A_74] : memref<1x8192xf32, #tpu.memory_space<vmem>>, vector<1x2048xf32>
    %dot_general3A_76 = arith.constant dense<0.000000e+00> : vector<256x2048xf32>
    %dot_general3A_77 = tpu.matmul %dot_general3A_10, %get3A_72, %dot_general3A_76 {dimension_numbers = #tpu.dot_dimension_numbers<[1], [1], [0], [0], [0, 0, 1, 0], [], []>, transpose_lhs_hint = false} : vector<256x256xf32>, vector<2048x256xf32>, vector<256x2048xf32> -> vector<256x2048xf32>
    %add3A_78 = vector.broadcast %broadcast_in_dim3A : vector<256x1xf32> to vector<256x2048xf32>
    %add3A_79 = vector.broadcast %get3A_75 : vector<1x2048xf32> to vector<256x2048xf32>
    %add3A_80 = arith.addf %add3A_78, %add3A_79 : vector<256x2048xf32>
    %mul3A_81 = arith.constant 2.000000e+00 : f32
    %mul3A_82 = vector.broadcast %mul3A_81 : f32 to vector<256x2048xf32>
    %mul3A_83 = arith.mulf %mul3A_82, %dot_general3A_77 : vector<256x2048xf32>
    %sub3A_84 = arith.subf %add3A_80, %mul3A_83 : vector<256x2048xf32>
    %reduce_min3A_85 = arith.constant dense<0x7F800000> : vector<256xf32>
    %reduce_min3A_86 = vector.multi_reduction <minimumf>, %sub3A_84, %reduce_min3A_85 [1] : vector<256x2048xf32> to vector<256xf32>
    %broadcast_in_dim3A_87 = vector.shape_cast %reduce_min3A_86 : vector<256xf32> to vector<256x1xf32>
    %iota3A_88 = tpu.iota {dimensions = array<i32: 1>} : vector<256x2048xi32>
    %add3A_89 = arith.constant 4096 : i32
    %add3A_90 = vector.broadcast %add3A_89 : i32 to vector<256x2048xi32>
    %add3A_91 = arith.addi %iota3A_88, %add3A_90 : vector<256x2048xi32>
    %eq3A_92 = vector.broadcast %broadcast_in_dim3A_87 : vector<256x1xf32> to vector<256x2048xf32>
    %eq3A_93 = arith.cmpf oeq, %sub3A_84, %eq3A_92 : vector<256x2048xf32>
    %jit3A_94 = arith.constant 8192 : i32
    %broadcast_in_dim3A_95 = vector.broadcast %jit3A_94 : i32 to vector<256x2048xi32>
    %select_n3A_96 = arith.select %eq3A_93, %add3A_91, %broadcast_in_dim3A_95 : vector<256x2048xi1>, vector<256x2048xi32>
    %reduce_min3A_97 = arith.constant dense<2147483647> : vector<256xi32>
    %reduce_min3A_98 = vector.multi_reduction <minsi>, %select_n3A_96, %reduce_min3A_97 [1] : vector<256x2048xi32> to vector<256xi32>
    %broadcast_in_dim3A_99 = vector.shape_cast %reduce_min3A_98 : vector<256xi32> to vector<256x1xi32>
    %lt3A_100 = arith.cmpf olt, %broadcast_in_dim3A_87, %select_n3A_69 : vector<256x1xf32>
    %select_n3A_101 = arith.select %lt3A_100, %broadcast_in_dim3A_99, %select_n3A_68 : vector<256x1xi1>, vector<256x1xi32>
    %select_n3A_102 = arith.select %lt3A_100, %broadcast_in_dim3A_87, %select_n3A_69 : vector<256x1xi1>, vector<256x1xf32>
    %get3A_103 = arith.constant 6144 : index
    %get3A_104 = arith.constant 0 : index
    %get3A_105 = vector.load %arg3[%get3A_103, %get3A_104] : memref<8192x256xf32, #tpu.memory_space<vmem>>, vector<2048x256xf32>
    %get3A_106 = arith.constant 0 : index
    %get3A_107 = arith.constant 6144 : index
    %get3A_108 = vector.load %arg6[%get3A_106, %get3A_107] : memref<1x8192xf32, #tpu.memory_space<vmem>>, vector<1x2048xf32>
    %dot_general3A_109 = arith.constant dense<0.000000e+00> : vector<256x2048xf32>
    %dot_general3A_110 = tpu.matmul %dot_general3A_10, %get3A_105, %dot_general3A_109 {dimension_numbers = #tpu.dot_dimension_numbers<[1], [1], [0], [0], [0, 0, 1, 0], [], []>, transpose_lhs_hint = false} : vector<256x256xf32>, vector<2048x256xf32>, vector<256x2048xf32> -> vector<256x2048xf32>
    %add3A_111 = vector.broadcast %broadcast_in_dim3A : vector<256x1xf32> to vector<256x2048xf32>
    %add3A_112 = vector.broadcast %get3A_108 : vector<1x2048xf32> to vector<256x2048xf32>
    %add3A_113 = arith.addf %add3A_111, %add3A_112 : vector<256x2048xf32>
    %mul3A_114 = arith.constant 2.000000e+00 : f32
    %mul3A_115 = vector.broadcast %mul3A_114 : f32 to vector<256x2048xf32>
    %mul3A_116 = arith.mulf %mul3A_115, %dot_general3A_110 : vector<256x2048xf32>
    %sub3A_117 = arith.subf %add3A_113, %mul3A_116 : vector<256x2048xf32>
    %reduce_min3A_118 = arith.constant dense<0x7F800000> : vector<256xf32>
    %reduce_min3A_119 = vector.multi_reduction <minimumf>, %sub3A_117, %reduce_min3A_118 [1] : vector<256x2048xf32> to vector<256xf32>
    %broadcast_in_dim3A_120 = vector.shape_cast %reduce_min3A_119 : vector<256xf32> to vector<256x1xf32>
    %iota3A_121 = tpu.iota {dimensions = array<i32: 1>} : vector<256x2048xi32>
    %add3A_122 = arith.constant 6144 : i32
    %add3A_123 = vector.broadcast %add3A_122 : i32 to vector<256x2048xi32>
    %add3A_124 = arith.addi %iota3A_121, %add3A_123 : vector<256x2048xi32>
    %eq3A_125 = vector.broadcast %broadcast_in_dim3A_120 : vector<256x1xf32> to vector<256x2048xf32>
    %eq3A_126 = arith.cmpf oeq, %sub3A_117, %eq3A_125 : vector<256x2048xf32>
    %jit3A_127 = arith.constant 8192 : i32
    %broadcast_in_dim3A_128 = vector.broadcast %jit3A_127 : i32 to vector<256x2048xi32>
    %select_n3A_129 = arith.select %eq3A_126, %add3A_124, %broadcast_in_dim3A_128 : vector<256x2048xi1>, vector<256x2048xi32>
    %reduce_min3A_130 = arith.constant dense<2147483647> : vector<256xi32>
    %reduce_min3A_131 = vector.multi_reduction <minsi>, %select_n3A_129, %reduce_min3A_130 [1] : vector<256x2048xi32> to vector<256xi32>
    %broadcast_in_dim3A_132 = vector.shape_cast %reduce_min3A_131 : vector<256xi32> to vector<256x1xi32>
    %lt3A_133 = arith.cmpf olt, %broadcast_in_dim3A_120, %select_n3A_102 : vector<256x1xf32>
    %select_n3A_134 = arith.select %lt3A_133, %broadcast_in_dim3A_132, %select_n3A_101 : vector<256x1xi1>, vector<256x1xi32>
    %squeeze3A = vector.shape_cast %select_n3A_134 : vector<256x1xi32> to vector<256xi32>
    %reshape3A_135 = vector.shape_cast %squeeze3A : vector<256xi32> to vector<1x1x256xi32>
    %swap3A_136 = arith.constant 0 : index
    %swap3A_137 = arith.constant 0 : index
    %swap3A_138 = arith.constant 0 : index
    %swap3A_139 = vector.load %arg5[%swap3A_136, %swap3A_137, %swap3A_138] : memref<1x1x256xi32, #tpu.memory_space<vmem>>, vector<1x1x256xi32>
    tpu.vector_store %arg5[%swap3A_136, %swap3A_137, %swap3A_138], %reshape3A_135 {strides = array<i32>} : memref<1x1x256xi32, #tpu.memory_space<vmem>>, vector<1x1x256xi32>,
    return
  }
  func.func @transform_0(%arg0: i32) -> (i32, i32, i32, i32) {
    %add3A = arith.constant 8 : i32
    %add3A_0 = arith.addi %arg0, %add3A : i32
    %c0_i32 = arith.constant 0 : i32
    %c0_i32_1 = arith.constant 0 : i32
    %c0_i32_2 = arith.constant 0 : i32
    %c0_i32_3 = arith.constant 0 : i32
    return %add3A_0, %c0_i32, %c0_i32_1, %c0_i32_2 : i32, i32, i32, i32
  }
  func.func @transform_1(%arg0: i32) -> (i32, i32) {
    %c0_i32 = arith.constant 0 : i32
    %c0_i32_0 = arith.constant 0 : i32
    %c0_i32_1 = arith.constant 0 : i32
    return %c0_i32, %c0_i32_0 : i32, i32
  }
  func.func @transform_2(%arg0: i32) -> (i32, i32) {
    %c0_i32 = arith.constant 0 : i32
    %c0_i32_0 = arith.constant 0 : i32
    %c0_i32_1 = arith.constant 0 : i32
    return %c0_i32, %c0_i32_0 : i32, i32
  }
  func.func @transform_3(%arg0: i32) -> (i32, i32) {
    %c0_i32 = arith.constant 0 : i32
    %c0_i32_0 = arith.constant 0 : i32
    return %arg0, %c0_i32 : i32, i32
  }
  func.func @transform_4(%arg0: i32) -> (i32, i32, i32) {
    %c0_i32 = arith.constant 0 : i32
    %c0_i32_0 = arith.constant 0 : i32
    %c0_i32_1 = arith.constant 0 : i32
    return %arg0, %c0_i32, %c0_i32_0 : i32, i32, i32
  }
}

module attributes {stable_mosaic.version = 14 : i64} {
  func.func @body(%arg0: i32, %arg1: memref<256x256xf32, #tpu.memory_space<vmem>>, %arg2: memref<256x256xf32, #tpu.memory_space<vmem>>, %arg3: memref<256x768xf32, #tpu.memory_space<vmem>>, %arg4: memref<1x3x256x256xf32, #tpu.memory_space<vmem>>, %arg5: memref<1x1xf32, #tpu.memory_space<vmem>>) attributes {dimension_semantics = [#tpu.dimension_semantics<arbitrary>], iteration_bounds = array<i64: 8>, scalar_prefetch = 0 : i64, scratch_operands = 0 : i64, tpu.core_type = #tpu.core_type<tc>, window_params = [{transform_indices = @transform_0, window_bounds = array<i64: 256, 256>}, {transform_indices = @transform_1, window_bounds = array<i64: 256, 256>}, {pipeline_mode = #tpu.pipeline_mode<synchronous>, transform_indices = @transform_2, window_bounds = array<i64: 256, 768>}, {transform_indices = @transform_3, window_bounds = array<i64: 1, 3, 256, 256>}, {pipeline_mode = #tpu.pipeline_mode<synchronous>, transform_indices = @transform_4, window_bounds = array<i64: 1, 1>}]} {
    %get3A = arith.constant 0 : index
    %get3A_0 = arith.constant 0 : index
    %get3A_1 = vector.load %arg1[%get3A, %get3A_0] : memref<256x256xf32, #tpu.memory_space<vmem>>, vector<256x256xf32>
    %get3A_2 = arith.constant 0 : index
    %get3A_3 = arith.constant 0 : index
    %get3A_4 = vector.load %arg2[%get3A_2, %get3A_3] : memref<256x256xf32, #tpu.memory_space<vmem>>, vector<256x256xf32>
    %sub3A = arith.subf %get3A_4, %get3A_1 : vector<256x256xf32>
    %add3A = arith.addf %get3A_1, %sub3A : vector<256x256xf32>
    %get3A_5 = arith.constant 0 : index
    %get3A_6 = arith.constant 0 : index
    %get3A_7 = vector.load %arg3[%get3A_5, %get3A_6] : memref<256x768xf32, #tpu.memory_space<vmem>>, vector<256x768xf32>
    %dot_general3A = arith.constant dense<0.000000e+00> : vector<256x768xf32>
    %dot_general3A_8 = tpu.matmul %add3A, %get3A_7, %dot_general3A {dimension_numbers = #tpu.dot_dimension_numbers<[1], [0], [0], [1], [0, 0, 1, 1], [], []>, transpose_lhs_hint = false} : vector<256x256xf32>, vector<256x768xf32>, vector<256x768xf32> -> vector<256x768xf32>
    %reshape3A = vector.shape_cast %dot_general3A_8 : vector<256x768xf32> to vector<1x16x16x3x16x16xf32>
    %transpose3A = tpu.transpose %reshape3A, [0, 3, 1, 4, 2, 5] : vector<1x16x16x3x16x16xf32> -> vector<1x3x16x16x16x16xf32>
    %reshape3A_9 = vector.shape_cast %transpose3A : vector<1x3x16x16x16x16xf32> to vector<1x3x256x256xf32>
    %swap3A = arith.constant 0 : index
    %swap3A_10 = arith.constant 0 : index
    %swap3A_11 = arith.constant 0 : index
    %swap3A_12 = arith.constant 0 : index
    %swap3A_13 = vector.load %arg4[%swap3A, %swap3A_10, %swap3A_11, %swap3A_12] : memref<1x3x256x256xf32, #tpu.memory_space<vmem>>, vector<1x3x256x256xf32>
    tpu.vector_store %arg4[%swap3A, %swap3A_10, %swap3A_11, %swap3A_12], %reshape3A_9 {strides = array<i32>} : memref<1x3x256x256xf32, #tpu.memory_space<vmem>>, vector<1x3x256x256xf32>,
    %sub3A_14 = arith.subf %get3A_1, %get3A_4 : vector<256x256xf32>
    %mul3A = arith.mulf %sub3A_14, %sub3A_14 : vector<256x256xf32>
    %reduce_sum3A = vector.shape_cast %mul3A : vector<256x256xf32> to vector<1x256x256xf32>
    %reduce_sum3A_15 = arith.constant dense<0.000000e+00> : vector<1xf32>
    %reduce_sum3A_16 = vector.multi_reduction <add>, %reduce_sum3A, %reduce_sum3A_15 [1, 2] : vector<1x256x256xf32> to vector<1xf32>
    %reduce_sum3A_17 = vector.shape_cast %reduce_sum3A_16 : vector<1xf32> to vector<1x1x1xf32>
    %reduce_sum3A_18 = vector.extract %reduce_sum3A_17[0, 0, 0] : f32 from vector<1x1x1xf32>
    %reshape3A_19 = vector.broadcast %reduce_sum3A_18 : f32 to vector<1x1xf32>
    %eq3A = arith.constant 0 : i32
    %eq3A_20 = arith.cmpi eq, %arg0, %eq3A : i32
    %convert_element_type3A = arith.extui %eq3A_20 : i1 to i32
    %cond3A = arith.constant 0 : i32
    %cond3A_21 = arith.cmpi ne, %convert_element_type3A, %cond3A : i32
    scf.if %cond3A_21 {
      %swap3A_26 = arith.constant 0 : index
      %swap3A_27 = arith.constant 0 : index
      %swap3A_28 = vector.load %arg5[%swap3A_26, %swap3A_27] : memref<1x1xf32, #tpu.memory_space<vmem>>, vector<1x1xf32>
      tpu.vector_store %arg5[%swap3A_26, %swap3A_27], %reshape3A_19 {strides = array<i32>} : memref<1x1xf32, #tpu.memory_space<vmem>>, vector<1x1xf32>,
    } else {
    }
    %gt3A = arith.constant 0 : i32
    %gt3A_22 = arith.cmpi sgt, %arg0, %gt3A : i32
    %convert_element_type3A_23 = arith.extui %gt3A_22 : i1 to i32
    %cond3A_24 = arith.constant 0 : i32
    %cond3A_25 = arith.cmpi ne, %convert_element_type3A_23, %cond3A_24 : i32
    scf.if %cond3A_25 {
      %get3A_26 = arith.constant 0 : index
      %get3A_27 = arith.constant 0 : index
      %get3A_28 = vector.load %arg5[%get3A_26, %get3A_27] : memref<1x1xf32, #tpu.memory_space<vmem>>, vector<1x1xf32>
      %add3A_29 = arith.addf %get3A_28, %reshape3A_19 : vector<1x1xf32>
      %swap3A_30 = arith.constant 0 : index
      %swap3A_31 = arith.constant 0 : index
      %swap3A_32 = vector.load %arg5[%swap3A_30, %swap3A_31] : memref<1x1xf32, #tpu.memory_space<vmem>>, vector<1x1xf32>
      tpu.vector_store %arg5[%swap3A_30, %swap3A_31], %add3A_29 {strides = array<i32>} : memref<1x1xf32, #tpu.memory_space<vmem>>, vector<1x1xf32>,
    } else {
    }
    return
  }
  func.func @transform_0(%arg0: i32) -> (i32, i32) {
    %c0_i32 = arith.constant 0 : i32
    %c0_i32_0 = arith.constant 0 : i32
    return %arg0, %c0_i32 : i32, i32
  }
  func.func @transform_1(%arg0: i32) -> (i32, i32) {
    %c0_i32 = arith.constant 0 : i32
    %c0_i32_0 = arith.constant 0 : i32
    return %arg0, %c0_i32 : i32, i32
  }
  func.func @transform_2(%arg0: i32) -> (i32, i32) {
    %c0_i32 = arith.constant 0 : i32
    %c0_i32_0 = arith.constant 0 : i32
    %c0_i32_1 = arith.constant 0 : i32
    return %c0_i32, %c0_i32_0 : i32, i32
  }
  func.func @transform_3(%arg0: i32) -> (i32, i32, i32, i32) {
    %add3A = arith.constant 0 : i32
    %add3A_0 = arith.addi %arg0, %add3A : i32
    %c0_i32 = arith.constant 0 : i32
    %c0_i32_1 = arith.constant 0 : i32
    %c0_i32_2 = arith.constant 0 : i32
    %c0_i32_3 = arith.constant 0 : i32
    return %add3A_0, %c0_i32, %c0_i32_1, %c0_i32_2 : i32, i32, i32, i32
  }
  func.func @transform_4(%arg0: i32) -> (i32, i32) {
    %c0_i32 = arith.constant 0 : i32
    %c0_i32_0 = arith.constant 0 : i32
    %c0_i32_1 = arith.constant 0 : i32
    return %c0_i32, %c0_i32_0 : i32, i32
  }
}

</mosaic_0001>

<sc_bundles>
// kernel: kernel.11.cloned.1.call-start
scs
__scs_entry_jumppad:
0x0: {  	(pc) =	sbr.rel $0x88, $3  }
0x1: {  	(tag) =	ssettag $0x0;
	lr =	simm.s32 $0x1  }
0x2: {  	[smem:$0x3F9D] =	sst lr;
	_ =	strace $0xD0000000  }
0x3: {  	_ = 	snop  }
0x4: {  	_ = 	snop  }
0x5: {  	_ = 	snop  }
0x6: {  	_ = 	snop  }
0x7: {  	_ = 	snop  }
__scs_overlays_trampoline_lowered:
0x8: {  	[smem:$0x3FAC] =	sst s0  }
0x9: {  	[smem:$0x3FAD] =	sst s1  }
0xa: {  	[smem:$0x3FAE] =	sst s2  }
0xb: {  	[smem:$0x3FAF] =	sst s3  }
0xc: {  	[smem:$0x3FB0] =	sst s4  }
0xd: {  	[smem:$0x3FB1] =	sst s5  }
0xe: {  	[smem:$0x3FB2] =	sst s6  }
0xf: {  	[smem:$0x3FB3] =	sst s7  }
0x10: {  	[smem:$0x3FB4] =	sst s8  }
0x11: {  	[smem:$0x3FB5] =	sst s9;
	s0 =	simm.s32 @!p0 $0x0  }
0x12: {  	s1 =	sld [smem:$0x3F9B];
	s0 =	simm.s32 @p0 $0x1  }
0x13: {  	[smem:$0x3FB6] =	sst s0;
	s0 =	simm.s32 @!p1 $0x0  }
0x14: {  	s2 =	sld [smem:$0x3F9A];
	s0 =	simm.s32 @p1 $0x1  }
0x15: {  	[smem:$0x3FB7] =	sst s0;
	s0 =	simm.s32 @!p2 $0x0  }
0x16: {  	s3 =	sld [smem:$0x3FDB];
	s0 =	simm.s32 @p2 $0x1  }
0x17: {  	s4 =	simm.s32 $0x1BF5;
	[smem:$0x3FB9] =	sst s0  }
0x18: {  	s0 =	sld [smem:$0x3F9C];
	_ =	swait.ge [sflag:s4], $0x0  }
0x19: {  	s7 =	sld [smem:$0x3F9D]  }
0x1a: {  	s8 =	sadd.s32 $0xFFFFE003, lr  }
0x1b: {  	s9 =	sadd.s32 $0xFFFFFEF7, lr;
	s5 =	simm.s32 $0xFFFFFFFF;
	p2 =	slt.u32 s8, $0xFFFFF086  }
0x1c: {  	p1 =	slt.u32 s9, $0xF7A;
	s5 =	simm.s32 @!p2 $0x0  }
0x1d: {  	s5 =	simm.s32 @p1 $0x1;
	p0 =	seq.s32 s7, s2  }
0x1e: {  	s7 =	smul.u32 @!p0 $0xF7A, s2;
	p2 =	seq.s32 @!p0 s5, $0x0  }
0x1f: {  	s9 =	smul.u32 $0xF7A, s1;
	s8 =	simm.s32 @!p0 $0x1BF5;
	p2 =	por !p2, p0  }
0x20: {  	[sflag:s8] =	ssyncset.s32 @!p0 $0xFFFFF086;
	s6 =	sadd.s32 @!p0 s3, s7;
	s7 =	simm.s32 @!p0 $0x108  }
0x21: {  	s3 =	sadd.s32 s3, s9;
	s6 =	sadd.s32 @!p0 $0x88, s6;
	s7 =	simm.s32 @p2 $0x1082  }
0x22: {  	[simem:s7], [sflag:s8] =	dma.local @!p0 [hbm:s6], $0xF7A  }
0x23: {  	s9 =	sor.u32 $0xD0000000, s2;
	s6 =	simm.s32 $0x108;
	_ =	swait.ge @!p0 [sflag:s8], $0x0  }
0x24: {  	s3 =	sadd.s32 $0x88, s3;
	s6 =	simm.s32 @!p1 $0x1082;
	[sflag:s4] =	ssyncset.s32 $0xFFFFF086  }
0x25: {  	[simem:s6], [sflag:s4] =	dma.local [hbm:s3], $0xF7A  }
0x26: {  	[smem:$0x3F9D] =	sst s1;
	(tag) =	ssettag s2;
	_ =	strace s9  }
0x27: {  	s1 =	sld [smem:$0x3FAD]  }
0x28: {  	s2 =	sld [smem:$0x3FAE]  }
0x29: {  	s4 =	sld [smem:$0x3FB0]  }
0x2a: {  	p0 =	seq.s32 s5, $0x0;
	s5 =	sld [smem:$0x3FB1]  }
0x2b: {  	s6 =	sld [smem:$0x3FB2]  }
0x2c: {  	s7 =	sld [smem:$0x3FB3]  }
0x2d: {  	s3 =	simm.s32 $0x108;
	s8 =	sld [smem:$0x3FB4]  }
0x2e: {  	s3 =	simm.s32 @!p0 $0x1082;
	s9 =	sld [smem:$0x3FB5]  }
0x2f: {  	lr =	sadd.s32 s0, s3;
	s0 =	sld [smem:$0x3FAC]  }
0x30: {  	s3 =	sld [smem:$0x3FAF]  }
0x31: {  	[smem:$0x3FB8] =	sst s10  }
0x32: {  	s10 =	sld [smem:$0x3FB6];
	_ =	sdelay $0x3  }
0x33: {  	p0 =	seq.s32 s10, $0x1;
	s10 =	sld [smem:$0x3FB8];
	_ =	sdelay $0x3  }
0x34: {  	[smem:$0x3FB8] =	sst s10  }
0x35: {  	s10 =	sld [smem:$0x3FB7];
	_ =	sdelay $0x3  }
0x36: {  	p1 =	seq.s32 s10, $0x1;
	s10 =	sld [smem:$0x3FB8];
	_ =	sdelay $0x3  }
0x37: {  	[smem:$0x3FB8] =	sst s10  }
0x38: {  	s10 =	sld [smem:$0x3FB9]  }
0x39: {  	_ = 	snop;
	(pc) =	sbr.ind lr, $3  }
0x3a: {  	_ = 	snop  }
0x3b: {  	_ = 	snop  }
0x3c: {  	p2 =	seq.s32 s10, $0x1;
	s10 =	sld [smem:$0x3FB8]  }
0x3d: {  	_ =	shalt  }
0x3e: {  	_ =	shalt  }
0x3f: {  	_ =	shalt  }
0x40: {  	_ =	shalt  }
0x41: {  	_ =	shalt  }
0x42: {  	_ =	shalt  }
0x43: {  	_ =	shalt  }
0x44: {  	_ =	shalt  }
0x45: {  	_ =	shalt  }
0x46: {  	_ =	shalt  }
0x47: {  	_ =	shalt  }
0x48: {  	_ =	shalt  }
0x49: {  	_ =	shalt  }
0x4a: {  	_ =	shalt  }
0x4b: {  	_ =	shalt  }
0x4c: {  	_ =	shalt  }
0x4d: {  	_ =	shalt  }
0x4e: {  	_ =	shalt  }
0x4f: {  	_ =	shalt  }
0x50: {  	_ =	shalt  }
0x51: {  	_ =	shalt  }
0x52: {  	_ =	shalt  }
0x53: {  	_ =	shalt  }
0x54: {  	_ =	shalt  }
0x55: {  	_ =	shalt  }
0x56: {  	_ =	shalt  }
0x57: {  	_ =	shalt  }
0x58: {  	_ =	shalt  }
0x59: {  	_ =	shalt  }
0x5a: {  	_ =	shalt  }
0x5b: {  	_ =	shalt  }
0x5c: {  	_ =	shalt  }
0x5d: {  	_ =	shalt  }
0x5e: {  	_ =	shalt  }
0x5f: {  	_ =	shalt  }
0x60: {  	_ =	shalt  }
0x61: {  	_ =	shalt  }
0x62: {  	_ =	shalt  }
0x63: {  	_ =	shalt  }
0x64: {  	_ =	shalt  }
0x65: {  	_ =	shalt  }
0x66: {  	_ =	shalt  }
0x67: {  	_ =	shalt  }
0x68: {  	_ =	shalt  }
0x69: {  	_ =	shalt  }
0x6a: {  	_ =	shalt  }
0x6b: {  	_ =	shalt  }
0x6c: {  	_ =	shalt  }
0x6d: {  	_ =	shalt  }
0x6e: {  	_ =	shalt  }
0x6f: {  	_ =	shalt  }
0x70: {  	_ =	shalt  }
0x71: {  	_ =	shalt  }
0x72: {  	_ =	shalt  }
0x73: {  	_ =	shalt  }
0x74: {  	_ =	shalt  }
0x75: {  	_ =	shalt  }
0x76: {  	_ =	shalt  }
0x77: {  	_ =	shalt  }
0x78: {  	_ =	shalt  }
0x79: {  	_ =	shalt  }
0x7a: {  	_ =	shalt  }
0x7b: {  	_ =	shalt  }
0x7c: {  	_ =	shalt  }
0x7d: {  	_ =	shalt  }
0x7e: {  	_ =	shalt  }
0x7f: {  	_ =	shalt  }
0x80: {  	_ =	shalt  }
0x81: {  	_ =	shalt  }
0x82: {  	_ =	shalt  }
0x83: {  	_ =	shalt  }
0x84: {  	_ =	shalt  }
0x85: {  	_ =	shalt  }
0x86: {  	_ =	shalt  }
0x87: {  	_ =	shalt  }
.Lfunc_end0:
.L_simem_size_0:
called_computation.1_lowered:
.L_overlay_start_0:
0x88: {  	s2 =	sld [smem:$0x3FD9]  }
0x89: {  	s3 =	sld [smem:$0x3FFE];
	_ =	sdelay $0x1  }
0x8a: {  	s1 =	srdreg.scid  }
0x8b: {  	s0 =	sand.u32 $0x1, s1  }
0x8c: {  	s17 =	sshll.u32 s0, $0xA;
	s2 =	sadd.s32 s3, s2  }
0x8d: {  	s2 =	sadd.s32 s2, s17  }
0x8e: {  	[smem:$0x3FC4] =	sst s2  }
0x8f: {  	_ = 	snop  }
0x90: {  	s18 =	sld [smem:$0x3FC6];
	(tm) =	ssettm $0x1  }
0x91: {  	s19 =	sld [smem:$0x3FFB];
	_ =	sdelay $0x3  }
0x92: {  	_ =	strace s19  }
0x93: {  	s2 =	sld [smem:$0x3FFC];
	_ =	sdelay $0x3  }
0x94: {  	_ =	strace s2  }
0x95: {  	s2 =	sld [smem:$0x3FFD];
	_ =	sdelay $0x3  }
0x96: {  	_ =	strace s2  }
0x97: {  	_ =	strace $0x8FFFFFFF  }
0x98: {  	s20 =	sld [smem:$0x3FDB];
	_ =	sdelay $0x1  }
0x99: {  	s4 =	simm.s32 $_scs_section_size  }
0x9a: {  	s5 =	simm.s32 $_size__tile_overlayer_lowered;
	s6 =	simm.s32 $_tile_overlayer_lowered  }
0x9b: {  	s7 =	simm.s32 $0x1BFF;
	s21 =	sshll.u32 s6, $0x1;
	s4 =	sadd.s32 s4, s20  }
0x9c: {  	s22 =	simm.s32 $0x0;
	s5 =	sshll.u32 s5, $0x1;
	s6 =	sadd.s32 s21, s4  }
0x9d: {  	[timem:s22], [sflag:s7] =	dma.local [hbm:s6], s5  }
0x9e: {  	_ =	swait.ge [sflag:s7], s5  }
0x9f: {  	s5 =	ssub.s32 $0x0, s5;
	[sflag:s7] =	ssyncset.done $0x0  }
0xa0: {  	[sflag:s7] =	ssyncadd.s32 s5;
	_ =	sdelay $0x1  }
0xa1: {  	s23 =	simm.s32 $0x1B8B  }
0xa2: {  	_ =	swait.ge [sflag:s23], $0x1  }
0xa3: {  	[sflag:s23] =	ssyncset.done $0x0  }
0xa4: {  	[sflag:s23] =	ssyncadd.s32 $0xFFFFFFFF  }
0xa5: {  	s5 =	sld [smem:$0x0]  }
0xa6: {  	s6 =	sand.u32 $0xFFFFFFFE, s1  }
0xa7: {  	p0 =	sne.s32 s1, s6  }
0xa8: {  	s6 =	sshll.u32 @p0 s6, $0xE  }
0xa9: {  	s6 =	sadd.s32 @p0 $0x11B8D, s6;
	s7 =	sshll.u32 @p0 s5, $0x11  }
0xaa: {  	s6 =	sor.u32 @p0 s7, s6  }
0xab: {  	[sflag:s6] =	ssyncadd.remote.s32 @p0 $0x1;
	_ =	sdelay $0x1  }
0xac: {  	s6 =	simm.s32 @p0 $0x1B8D  }
0xad: {  	_ =	swait.eq @p0 [sflag:s6], $0x1  }
0xae: {  	[sflag:s6] =	ssyncadd.s32 @p0 $0xFFFFFFFF  }
0xaf: {  	s7 =	sshll.u32 @!p0 s1, $0xE  }
0xb0: {  	s7 =	sor.u32 @!p0 $0x4000, s7;
	s6 =	simm.s32 @!p0 $0x1B8D  }
0xb1: {  	s5 =	sshll.u32 @!p0 s5, $0x11;
	s7 =	sadd.s32 @!p0 $0x11B8D, s7;
	_ =	swait.eq @!p0 [sflag:s6], $0x1  }
0xb2: {  	s5 =	sor.u32 @!p0 s5, s7;
	[sflag:s6] =	ssyncadd.s32 @!p0 $0xFFFFFFFF  }
0xb3: {  	s25 =	simm.s32 $0x1B8E;
	s24 =	sld [smem:$0x3FFE];
	[sflag:s5] =	ssyncadd.remote.s32 @!p0 $0x1  }
0xb4: {  	s26 =	simm.s32 $execute0_lowered;
	[smem:$0x3FD2] =	sst s25  }
0xb5: {  	s6 =	sshll.u32 s26, $0x1;
	_ =	strace $0x80000049;
	[dreg:$0x1] =	wrdreg $0xFFFFFFFF  }
0xb6: {  	s28 =	simm.s32 $_size_execute0_lowered;
	s4 =	sadd.s32 s4, s6;
	[dreg:$0x0] =	wrdreg $0x0  }
0xb7: {  	s6 =	sshll.u32 s28, $0x1;
	[dreg:$0x2] =	wrdreg s4  }
0xb8: {  	[dreg:$0x3] =	wrdreg s6  }
0xb9: {  	[dreg:$0x4] =	wrdreg $0xC0  }
0xba: {  	_ =	task [dreg:s22], $0x5FFFF  }
0xbb: {  	[dreg:$0x1] =	wrdreg $0xFFFFFFFF  }
0xbc: {  	[dreg:$0x0] =	wrdreg $0x60  }
0xbd: {  	[dreg:$0x2] =	wrdreg s18  }
0xbe: {  	[dreg:$0x3] =	wrdreg s24  }
0xbf: {  	[dreg:$0x4] =	wrdreg $0xA  }
0xc0: {  	_ =	task.clear_ibuf [dreg:s22], $0x5FFFF;
	_ =	strace $0x90000049  }
0xc1: {  	s29 =	simm.s32 $0xA;
	_ =	strace $0x8000004B  }
0xc2: {  	_ =	swait.ge [sflag:s29], $0x1  }
0xc3: {  	[sflag:s29] =	ssyncadd.s32 $0xFFFFFFFF  }
0xc4: {  	_ =	strace $0x9000004B  }
0xc5: {  	_ =	sfence  }
0xc6: {  	s30 =	sld [smem:$0x0];
	_ =	sdelay $0x2  }
0xc7: {  	s31 =	sshll.u32 s1, $0xD;
	s1 =	sshrl.u32 s1, $0x2  }
0xc8: {  	s4 =	sand.u32 $0x4000, s31;
	s1 =	sadd.s32 s1, s30  }
0xc9: {  	s0 =	sor.u32 s4, s0;
	s1 =	sshll.u32 s1, $0x11  }
0xca: {  	s0 =	sor.u32 s1, s0  }
0xcb: {  	s0 =	sadd.s32 $0x8F2B, s0  }
0xcc: {  	[sflag:s0] =	ssyncadd.remote.s32 $0x1  }
0xcd: {  	_ =	sfence.sel $0xFFFF  }
0xce: {  	[dreg:$0x0] =	wrdreg $0xFFFFFFFF;
	(pc) =	sbr.abs _section_cstart, $3  }
0xcf: {  	[dreg:$0x1] =	wrdreg $0xFFFFFFFF  }
0xd0: {  	_ =	task.clear_ibuf [dreg:s22], $0x2FFFF;
	_ =	strace $0x9FFFFFFF  }
0xd1: {  	(tm) =	ssettm $0x7FFFFFFF  }
tec
execute0_lowered:
.L_overlay_start_1:
0x0: {  	(tag) =	ssettag $0x1  }
0x1: {  	s1 =	rddreg [dreg:$0x0]  }
0x2: {  	s4 =	rddreg [dreg:$0x1]  }
0x3: {  	s0 =	rddreg [dreg:$0x2]  }
0x4: {  	s3 =	simm.s32 $0x0;
	s5 =	srdreg.scid;
	s2 =	stileid.u32  }
0x5: {  	s12 =	simm.s32 $0x900;
	s13 =	simm.s32 $0x1100;
	s14 =	simm.s32 $0x1900  }
0x6: {  	s15 =	simm.s32 $0x2100;
	s16 =	simm.s32 $0x2900;
	s17 =	simm.s32 $0x3100  }
0x7: {  	s18 =	simm.s32 $0x3900;
	s19 =	simm.s32 $0x1;
	s20 =	simm.s32 $0x2  }
0x8: {  	[smem:$0x7FF] =	sst s3;
	s5 =	sand.u32 $0x1, s5;
	s6 =	sadd.s32 $0x2E00, s4  }
0x9: {  	s7 =	sshll.u32 s2, $0x7;
	s9 =	sadd.s32 $0x3000, s4;
	s8 =	sshll.u32 s5, $0x6  }
0xa: {  	_ =	strace $0x8000004A;
	s28 =	ssub.s32 $0x2, s5;
	s7 =	sor.u32 s8, s7  }
0xb: {  	s5 =	sshrl.u32 s28, $0x1;
	s8 =	sshrl.u32 s7, $0x3;
	s10 =	sor.u32 $0x20, s7  }
0xc: {  	s11 =	ssub.s32 s28, s5;
	s30 =	sshll.u32 s7, $0x5;
	s4 =	sadd.s32 s6, s8  }
0xd: {  	v2 =	vlaneseq.u32;
	s29 =	sshrl.u32 s10, $0x3;
	s31 =	sshll.u32 s10, $0x5;
	s8 =	smax.u32 s11, $0x1  }
0xe: {  	vm0 =	vmmov $0xffff;
	v1 =	vshrl.u32 v2, $0x3;
	s10 =	simm.s32 $0x80;
	s11 =	simm.s32 $0x100;
	s5 =	sadd.s32 s6, s29  }
0xf: {  	v0 =	vand.u32 $0x7, v2;
	v2 =	vor.u32 $0x8, v2;
	v1 =	vmul.u32 $0x8, v1;
	s6 =	sadd.s32 s9, s30;
	s7 =	sadd.s32 s9, s31;
	s9 =	simm.s32 $0x3  }
.LBB2_1:
0x10: {  	[tilespmem:s3], [sflag:$0x3] =	stream.linear.gather [hbm4b:s4+s3], $0x20, $0x38;
	[tilespmem:$0x4100] =	vst v63  }
0x11: {  	_ =	swait.ge [sflag:s9], $0x20  }
0x12: {  	[sflag:s9] =	ssyncset.done $0x0  }
0x13: {  	[sflag:s9] =	ssyncadd.s32 $0xFFFFFFE0  }
0x14: {  	[tilespmem:s10], [sflag:$0x3] =	stream.linear.gather [hbm4b:s5+s3], $0x20, $0x38;
	[tilespmem:$0x4100] =	vst v63  }
0x15: {  	_ =	swait.ge [sflag:s9], $0x20  }
0x16: {  	[sflag:s9] =	ssyncset.done $0x0  }
0x17: {  	[sflag:s9] =	ssyncadd.s32 $0xFFFFFFE0  }
0x18: {  	v3 =	vld [tilespmem:$0x0];
	_ =	sdelay $0x4  }
0x19: {  	v4 =	vshll.u32 v3, $0x1  }
0x1a: {  	v3 =	vand.u32 $0x7, v3;
	v4 =	vand.u32 $0xFFFFFFF0, v4  }
0x1b: {  	v3 =	vor.u32 v3, v4  }
0x1c: {  	v4 =	vperm.xlane v3, v0;
	_ =	sdelay $0x1  }
0x1d: {  	v3 =	vperm.xlane v3, v2;
	v4 =	vadd.s32 v1, v4;
	_ =	sdelay $0x1  }
0x1e: {  	v3 =	vadd.s32 v1, v3;
	_ =	sdelay $0x2  }
0x1f: {  	[tilespmem:s11], [sflag:$0x1] =	stream.indirect_vreg.gather [hbm4b:s1+s3], $0x80, v4, vm0, $0xb8;
	[tilespmem:$0x4100] =	vst v63  }
0x20: {  	_ = 	snop  }
0x21: {  	[tilespmem:s12], [sflag:$0x1] =	stream.indirect_vreg.gather [hbm4b:s1+s3], $0x80, v3, vm0, $0xb8;
	[tilespmem:$0x4100] =	vst v63  }
0x22: {  	v3 =	vld [tilespmem:$0x10];
	_ =	sdelay $0x4  }
0x23: {  	v61 =	vshll.u32 v3, $0x1  }
0x24: {  	v3 =	vand.u32 $0x7, v3;
	v4 =	vand.u32 $0xFFFFFFF0, v61  }
0x25: {  	v3 =	vor.u32 v3, v4  }
0x26: {  	v4 =	vperm.xlane v3, v0;
	_ =	sdelay $0x1  }
0x27: {  	v3 =	vperm.xlane v3, v2;
	v4 =	vadd.s32 v1, v4;
	_ =	sdelay $0x1  }
0x28: {  	v3 =	vadd.s32 v1, v3;
	_ =	sdelay $0x2  }
0x29: {  	[tilespmem:s13], [sflag:$0x1] =	stream.indirect_vreg.gather [hbm4b:s1+s3], $0x80, v4, vm0, $0xb8;
	[tilespmem:$0x4100] =	vst v63  }
0x2a: {  	_ = 	snop  }
0x2b: {  	[tilespmem:s14], [sflag:$0x1] =	stream.indirect_vreg.gather [hbm4b:s1+s3], $0x80, v3, vm0, $0xb8;
	[tilespmem:$0x4100] =	vst v63  }
0x2c: {  	v3 =	vld [tilespmem:$0x80];
	_ =	sdelay $0x4  }
0x2d: {  	v62 =	vshll.u32 v3, $0x1  }
0x2e: {  	v3 =	vand.u32 $0x7, v3;
	v4 =	vand.u32 $0xFFFFFFF0, v62  }
0x2f: {  	v3 =	vor.u32 v3, v4  }
0x30: {  	v4 =	vperm.xlane v3, v0;
	_ =	sdelay $0x1  }
0x31: {  	v3 =	vperm.xlane v3, v2;
	v4 =	vadd.s32 v1, v4;
	_ =	sdelay $0x1  }
0x32: {  	v3 =	vadd.s32 v1, v3;
	_ =	sdelay $0x2  }
0x33: {  	[tilespmem:s15], [sflag:$0x2] =	stream.indirect_vreg.gather [hbm4b:s1+s3], $0x80, v4, vm0, $0xb8;
	[tilespmem:$0x4100] =	vst v63  }
0x34: {  	_ = 	snop  }
0x35: {  	[tilespmem:s16], [sflag:$0x2] =	stream.indirect_vreg.gather [hbm4b:s1+s3], $0x80, v3, vm0, $0xb8;
	[tilespmem:$0x4100] =	vst v63  }
0x36: {  	v3 =	vld [tilespmem:$0x90];
	_ =	sdelay $0x4  }
0x37: {  	v63 =	vshll.u32 v3, $0x1  }
0x38: {  	v3 =	vand.u32 $0x7, v3;
	v4 =	vand.u32 $0xFFFFFFF0, v63  }
0x39: {  	v3 =	vor.u32 v3, v4  }
0x3a: {  	v4 =	vperm.xlane v3, v0;
	_ =	sdelay $0x1  }
0x3b: {  	v3 =	vperm.xlane v3, v2;
	v4 =	vadd.s32 v1, v4;
	_ =	sdelay $0x1  }
0x3c: {  	v3 =	vadd.s32 v1, v3;
	_ =	sdelay $0x2  }
0x3d: {  	[tilespmem:s17], [sflag:$0x2] =	stream.indirect_vreg.gather [hbm4b:s1+s3], $0x80, v4, vm0, $0xb8;
	[tilespmem:$0x4100] =	vst v63  }
0x3e: {  	_ = 	snop  }
0x3f: {  	[tilespmem:s18], [sflag:$0x2] =	stream.indirect_vreg.gather [hbm4b:s1+s3], $0x80, v3, vm0, $0xb8;
	[tilespmem:$0x4100] =	vst v63  }
0x40: {  	_ =	swait.ge [sflag:s19], $0x2000  }
0x41: {  	[sflag:s19] =	ssyncset.done $0x0  }
0x42: {  	[sflag:s19] =	ssyncadd.s32 $0xFFFFE000  }
0x43: {  	[hbm4b:s6+s3] =	stream.linear.scatter [tilespmem:s11], [sflag:$0x3], $0x2000, $0x38;
	[tilespmem:$0x4100] =	vst v63  }
0x44: {  	_ =	swait.ge [sflag:s9], $0x2000  }
0x45: {  	[sflag:s9] =	ssyncset.done $0x0  }
0x46: {  	[sflag:s9] =	ssyncadd.s32 $0xFFFFE000  }
0x47: {  	_ =	swait.ge [sflag:s20], $0x2000  }
0x48: {  	p0 =	sne.s32 s8, $0x1;
	[sflag:s20] =	ssyncset.done $0x0  }
.Ltmp0:
0x49: {  	[sflag:s20] =	ssyncadd.s32 $0xFFFFE000;
	(pc) =	sbr.rel @p0 .LBB2_1-.Ltmp0, $4  }
0x4a: {  	[hbm4b:s7+s3] =	stream.linear.scatter [tilespmem:s15], [sflag:$0x3], $0x2000, $0x38;
	[tilespmem:$0x4100] =	vst v63  }
0x4b: {  	_ =	swait.ge [sflag:s9], $0x2000  }
0x4c: {  	[sflag:s9] =	ssyncset.done $0x0  }
0x4d: {  	s8 =	sadd.s32 $0xFFFFFFFF, s8;
	[sflag:s9] =	ssyncadd.s32 $0xFFFFE000  }
0x4e: {  	_ =	sfence.sel $0x180000  }
0x4f: {  	[bflag:$0x0] =	sbarrier.arrive $0xFFFF  }
0x50: {  	p0 =	sne.s32 s2, $0x0;
	_ =	strace $0x9000004A  }
0x51: {  	s0 =	sadd.s32 @!p0 $0x100000, s0;
	[bflag:$0x2] =	sbarrier.arrive $0xFFFF  }
0x52: {  	[sflag:s0] =	ssyncadd.tile.s32 @!p0 $0x1;
	_ =	shalt  }
.Lfunc_end2:
_tile_overlayer_lowered:
.L_overlay_start_2:
0x53: {  	(tag) =	ssettag $0x2  }
0x54: {  	s0 =	rddreg [dreg:$0x0];
	s2 =	stileid.u32  }
0x55: {  	s1 =	rddreg [dreg:$0x1];
	p0 =	sne.s32 s2, $0x0  }
0x56: {  	s3 =	rddreg [dreg:$0x2];
	[bflag:$0x3] =	sbarrier.arrive $0xFFFF;
	s2 =	simm.s32 @!p0 $0x1C03  }
0x57: {  	[timem:s3], [sflag:s2] =	dma.local @!p0 [hbm:s0], s1  }
0x58: {  	s0 =	simm.s32 @!p0 $0x3  }
0x59: {  	_ =	swait.ge @!p0 [sflag:s0], s1  }
0x5a: {  	s1 =	ssub.s32 @!p0 $0x0, s1;
	[sflag:s0] =	ssyncset.done @!p0 $0x0  }
0x5b: {  	[sflag:s0] =	ssyncadd.s32 @!p0 s1  }
0x5c: {  	[bflag:$0x3] =	sbarrier.arrive $0xFFFF  }
0x5d: {  	_ =	shalt  }

// kernel: kernel.8.cloned.1.call-start
scs
__scs_entry_jumppad:
0x0: {  	(pc) =	sbr.rel $0x88, $3  }
0x1: {  	(tag) =	ssettag $0x0;
	lr =	simm.s32 $0x1  }
0x2: {  	[smem:$0x3F9D] =	sst lr;
	_ =	strace $0xD0000000  }
0x3: {  	_ = 	snop  }
0x4: {  	_ = 	snop  }
0x5: {  	_ = 	snop  }
0x6: {  	_ = 	snop  }
0x7: {  	_ = 	snop  }
__scs_overlays_trampoline_lowered:
0x8: {  	[smem:$0x3FAC] =	sst s0  }
0x9: {  	[smem:$0x3FAD] =	sst s1  }
0xa: {  	[smem:$0x3FAE] =	sst s2  }
0xb: {  	[smem:$0x3FAF] =	sst s3  }
0xc: {  	[smem:$0x3FB0] =	sst s4  }
0xd: {  	[smem:$0x3FB1] =	sst s5  }
0xe: {  	[smem:$0x3FB2] =	sst s6  }
0xf: {  	[smem:$0x3FB3] =	sst s7  }
0x10: {  	[smem:$0x3FB4] =	sst s8  }
0x11: {  	[smem:$0x3FB5] =	sst s9;
	s0 =	simm.s32 @!p0 $0x0  }
0x12: {  	s1 =	sld [smem:$0x3F9B];
	s0 =	simm.s32 @p0 $0x1  }
0x13: {  	[smem:$0x3FB6] =	sst s0;
	s0 =	simm.s32 @!p1 $0x0  }
0x14: {  	s2 =	sld [smem:$0x3F9A];
	s0 =	simm.s32 @p1 $0x1  }
0x15: {  	[smem:$0x3FB7] =	sst s0;
	s0 =	simm.s32 @!p2 $0x0  }
0x16: {  	s3 =	sld [smem:$0x3FDB];
	s0 =	simm.s32 @p2 $0x1  }
0x17: {  	s4 =	simm.s32 $0x1BF5;
	[smem:$0x3FB9] =	sst s0  }
0x18: {  	s0 =	sld [smem:$0x3F9C];
	_ =	swait.ge [sflag:s4], $0x0  }
0x19: {  	s7 =	sld [smem:$0x3F9D]  }
0x1a: {  	s8 =	sadd.s32 $0xFFFFE003, lr  }
0x1b: {  	s9 =	sadd.s32 $0xFFFFFEF7, lr;
	s5 =	simm.s32 $0xFFFFFFFF;
	p2 =	slt.u32 s8, $0xFFFFF086  }
0x1c: {  	p1 =	slt.u32 s9, $0xF7A;
	s5 =	simm.s32 @!p2 $0x0  }
0x1d: {  	s5 =	simm.s32 @p1 $0x1;
	p0 =	seq.s32 s7, s2  }
0x1e: {  	s7 =	smul.u32 @!p0 $0xF7A, s2;
	p2 =	seq.s32 @!p0 s5, $0x0  }
0x1f: {  	s9 =	smul.u32 $0xF7A, s1;
	s8 =	simm.s32 @!p0 $0x1BF5;
	p2 =	por !p2, p0  }
0x20: {  	[sflag:s8] =	ssyncset.s32 @!p0 $0xFFFFF086;
	s6 =	sadd.s32 @!p0 s3, s7;
	s7 =	simm.s32 @!p0 $0x108  }
0x21: {  	s3 =	sadd.s32 s3, s9;
	s6 =	sadd.s32 @!p0 $0x88, s6;
	s7 =	simm.s32 @p2 $0x1082  }
0x22: {  	[simem:s7], [sflag:s8] =	dma.local @!p0 [hbm:s6], $0xF7A  }
0x23: {  	s9 =	sor.u32 $0xD0000000, s2;
	s6 =	simm.s32 $0x108;
	_ =	swait.ge @!p0 [sflag:s8], $0x0  }
0x24: {  	s3 =	sadd.s32 $0x88, s3;
	s6 =	simm.s32 @!p1 $0x1082;
	[sflag:s4] =	ssyncset.s32 $0xFFFFF086  }
0x25: {  	[simem:s6], [sflag:s4] =	dma.local [hbm:s3], $0xF7A  }
0x26: {  	[smem:$0x3F9D] =	sst s1;
	(tag) =	ssettag s2;
	_ =	strace s9  }
0x27: {  	s1 =	sld [smem:$0x3FAD]  }
0x28: {  	s2 =	sld [smem:$0x3FAE]  }
0x29: {  	s4 =	sld [smem:$0x3FB0]  }
0x2a: {  	p0 =	seq.s32 s5, $0x0;
	s5 =	sld [smem:$0x3FB1]  }
0x2b: {  	s6 =	sld [smem:$0x3FB2]  }
0x2c: {  	s7 =	sld [smem:$0x3FB3]  }
0x2d: {  	s3 =	simm.s32 $0x108;
	s8 =	sld [smem:$0x3FB4]  }
0x2e: {  	s3 =	simm.s32 @!p0 $0x1082;
	s9 =	sld [smem:$0x3FB5]  }
0x2f: {  	lr =	sadd.s32 s0, s3;
	s0 =	sld [smem:$0x3FAC]  }
0x30: {  	s3 =	sld [smem:$0x3FAF]  }
0x31: {  	[smem:$0x3FB8] =	sst s10  }
0x32: {  	s10 =	sld [smem:$0x3FB6];
	_ =	sdelay $0x3  }
0x33: {  	p0 =	seq.s32 s10, $0x1;
	s10 =	sld [smem:$0x3FB8];
	_ =	sdelay $0x3  }
0x34: {  	[smem:$0x3FB8] =	sst s10  }
0x35: {  	s10 =	sld [smem:$0x3FB7];
	_ =	sdelay $0x3  }
0x36: {  	p1 =	seq.s32 s10, $0x1;
	s10 =	sld [smem:$0x3FB8];
	_ =	sdelay $0x3  }
0x37: {  	[smem:$0x3FB8] =	sst s10  }
0x38: {  	s10 =	sld [smem:$0x3FB9]  }
0x39: {  	_ = 	snop;
	(pc) =	sbr.ind lr, $3  }
0x3a: {  	_ = 	snop  }
0x3b: {  	_ = 	snop  }
0x3c: {  	p2 =	seq.s32 s10, $0x1;
	s10 =	sld [smem:$0x3FB8]  }
0x3d: {  	_ =	shalt  }
0x3e: {  	_ =	shalt  }
0x3f: {  	_ =	shalt  }
0x40: {  	_ =	shalt  }
0x41: {  	_ =	shalt  }
0x42: {  	_ =	shalt  }
0x43: {  	_ =	shalt  }
0x44: {  	_ =	shalt  }
0x45: {  	_ =	shalt  }
0x46: {  	_ =	shalt  }
0x47: {  	_ =	shalt  }
0x48: {  	_ =	shalt  }
0x49: {  	_ =	shalt  }
0x4a: {  	_ =	shalt  }
0x4b: {  	_ =	shalt  }
0x4c: {  	_ =	shalt  }
0x4d: {  	_ =	shalt  }
0x4e: {  	_ =	shalt  }
0x4f: {  	_ =	shalt  }
0x50: {  	_ =	shalt  }
0x51: {  	_ =	shalt  }
0x52: {  	_ =	shalt  }
0x53: {  	_ =	shalt  }
0x54: {  	_ =	shalt  }
0x55: {  	_ =	shalt  }
0x56: {  	_ =	shalt  }
0x57: {  	_ =	shalt  }
0x58: {  	_ =	shalt  }
0x59: {  	_ =	shalt  }
0x5a: {  	_ =	shalt  }
0x5b: {  	_ =	shalt  }
0x5c: {  	_ =	shalt  }
0x5d: {  	_ =	shalt  }
0x5e: {  	_ =	shalt  }
0x5f: {  	_ =	shalt  }
0x60: {  	_ =	shalt  }
0x61: {  	_ =	shalt  }
0x62: {  	_ =	shalt  }
0x63: {  	_ =	shalt  }
0x64: {  	_ =	shalt  }
0x65: {  	_ =	shalt  }
0x66: {  	_ =	shalt  }
0x67: {  	_ =	shalt  }
0x68: {  	_ =	shalt  }
0x69: {  	_ =	shalt  }
0x6a: {  	_ =	shalt  }
0x6b: {  	_ =	shalt  }
0x6c: {  	_ =	shalt  }
0x6d: {  	_ =	shalt  }
0x6e: {  	_ =	shalt  }
0x6f: {  	_ =	shalt  }
0x70: {  	_ =	shalt  }
0x71: {  	_ =	shalt  }
0x72: {  	_ =	shalt  }
0x73: {  	_ =	shalt  }
0x74: {  	_ =	shalt  }
0x75: {  	_ =	shalt  }
0x76: {  	_ =	shalt  }
0x77: {  	_ =	shalt  }
0x78: {  	_ =	shalt  }
0x79: {  	_ =	shalt  }
0x7a: {  	_ =	shalt  }
0x7b: {  	_ =	shalt  }
0x7c: {  	_ =	shalt  }
0x7d: {  	_ =	shalt  }
0x7e: {  	_ =	shalt  }
0x7f: {  	_ =	shalt  }
0x80: {  	_ =	shalt  }
0x81: {  	_ =	shalt  }
0x82: {  	_ =	shalt  }
0x83: {  	_ =	shalt  }
0x84: {  	_ =	shalt  }
0x85: {  	_ =	shalt  }
0x86: {  	_ =	shalt  }
0x87: {  	_ =	shalt  }
.Lfunc_end0:
.L_simem_size_0:
called_computation_lowered:
.L_overlay_start_0:
0x88: {  	s2 =	sld [smem:$0x3FD9]  }
0x89: {  	s3 =	sld [smem:$0x3FFE];
	_ =	sdelay $0x1  }
0x8a: {  	s1 =	srdreg.scid  }
0x8b: {  	s0 =	sand.u32 $0x1, s1  }
0x8c: {  	s14 =	sshll.u32 s0, $0xA;
	s2 =	sadd.s32 s3, s2  }
0x8d: {  	s2 =	sadd.s32 s2, s14  }
0x8e: {  	[smem:$0x3FC4] =	sst s2  }
0x8f: {  	_ = 	snop  }
0x90: {  	s2 =	sld [smem:$0x3FD0];
	_ =	sdelay $0x2  }
0x91: {  	s4 =	simm.s32 $0xB;
	s5 =	simm.s32 $0x10;
	s15 =	sld [smem:$0x3FC6]  }
0x92: {  	[smem:s5], [sflag:s4] =	dma.local [hbm:s2], $0x1  }
0x93: {  	_ =	swait.eq [sflag:s4], $0x1  }
0x94: {  	[sflag:s4] =	ssyncset.done $0x0  }
0x95: {  	[sflag:s4] =	ssyncadd.s32 $0xFFFFFFFF  }
0x96: {  	s16 =	sld [smem:$0x10];
	(tm) =	ssettm $0x1  }
0x97: {  	s17 =	sld [smem:$0x3FFB];
	_ =	sdelay $0x3  }
0x98: {  	_ =	strace s17  }
0x99: {  	s4 =	sld [smem:$0x3FFC];
	_ =	sdelay $0x3  }
0x9a: {  	_ =	strace s4  }
0x9b: {  	s4 =	sld [smem:$0x3FFD];
	_ =	sdelay $0x3  }
0x9c: {  	_ =	strace s4  }
0x9d: {  	_ =	strace $0x8FFFFFFF  }
0x9e: {  	s18 =	sld [smem:$0x3FDB];
	_ =	sdelay $0x1  }
0x9f: {  	s19 =	simm.s32 $_scs_section_size  }
0xa0: {  	s6 =	simm.s32 $_size__tile_overlayer_lowered;
	s7 =	simm.s32 $_tile_overlayer_lowered  }
0xa1: {  	s22 =	simm.s32 $0x1BFF;
	s21 =	sshll.u32 s7, $0x1;
	s4 =	sadd.s32 s19, s18  }
0xa2: {  	s8 =	simm.s32 $0x0;
	s20 =	sshll.u32 s6, $0x1;
	s6 =	sadd.s32 s21, s4  }
0xa3: {  	[timem:s8], [sflag:s22] =	dma.local [hbm:s6], s20  }
0xa4: {  	_ =	swait.ge [sflag:s22], s20  }
0xa5: {  	s5 =	ssub.s32 $0x0, s20;
	[sflag:s22] =	ssyncset.done $0x0  }
0xa6: {  	[sflag:s22] =	ssyncadd.s32 s5;
	_ =	sdelay $0x1  }
0xa7: {  	s23 =	simm.s32 $0x1B8B  }
0xa8: {  	_ =	swait.ge [sflag:s23], $0x1  }
0xa9: {  	[sflag:s23] =	ssyncset.done $0x0  }
0xaa: {  	s25 =	simm.s32 $0x1B8E;
	s24 =	sld [smem:$0x3FFE];
	[sflag:s23] =	ssyncadd.s32 $0xFFFFFFFF  }
0xab: {  	s26 =	simm.s32 $execute0_lowered;
	[smem:$0x3FD2] =	sst s25  }
0xac: {  	s6 =	sshll.u32 s26, $0x1;
	_ =	strace $0x80000046;
	[dreg:$0x1] =	wrdreg $0xFFFFFFFF  }
0xad: {  	s28 =	simm.s32 $_size_execute0_lowered;
	s4 =	sadd.s32 s4, s6;
	[dreg:$0x0] =	wrdreg $0x0  }
0xae: {  	s6 =	sshll.u32 s28, $0x1;
	[dreg:$0x2] =	wrdreg s4  }
0xaf: {  	[dreg:$0x3] =	wrdreg s6  }
0xb0: {  	[dreg:$0x4] =	wrdreg $0xC0  }
0xb1: {  	_ =	task [dreg:s8], $0x5FFFF  }
0xb2: {  	[dreg:$0x1] =	wrdreg $0xFFFFFFFF  }
0xb3: {  	[dreg:$0x0] =	wrdreg $0x60  }
0xb4: {  	[dreg:$0x2] =	wrdreg s15  }
0xb5: {  	[dreg:$0x3] =	wrdreg s24  }
0xb6: {  	[dreg:$0x4] =	wrdreg s16  }
0xb7: {  	[dreg:$0x5] =	wrdreg $0x9  }
0xb8: {  	_ =	task.clear_ibuf [dreg:s8], $0x6FFFF;
	_ =	strace $0x90000046  }
0xb9: {  	s29 =	simm.s32 $0x9;
	_ =	strace $0x80000048  }
0xba: {  	_ =	swait.ge [sflag:s29], $0x1  }
0xbb: {  	[sflag:s29] =	ssyncadd.s32 $0xFFFFFFFF  }
0xbc: {  	_ =	strace $0x90000048  }
0xbd: {  	_ =	sfence  }
0xbe: {  	s30 =	sld [smem:$0x0];
	_ =	sdelay $0x2  }
0xbf: {  	s31 =	sshll.u32 s1, $0xD;
	s1 =	sshrl.u32 s1, $0x2  }
0xc0: {  	s3 =	sand.u32 $0x4000, s31;
	s1 =	sadd.s32 s1, s30  }
0xc1: {  	s0 =	sor.u32 s3, s0;
	s1 =	sshll.u32 s1, $0x11  }
0xc2: {  	s0 =	sor.u32 s1, s0  }
0xc3: {  	s0 =	sadd.s32 $0x8F2B, s0  }
0xc4: {  	[sflag:s0] =	ssyncadd.remote.s32 $0x1  }
0xc5: {  	_ =	sfence.sel $0xFFFF  }
0xc6: {  	[dreg:$0x0] =	wrdreg $0xFFFFFFFF;
	(pc) =	sbr.abs _section_cstart, $3  }
0xc7: {  	[dreg:$0x1] =	wrdreg $0xFFFFFFFF  }
0xc8: {  	_ =	task.clear_ibuf [dreg:s8], $0x2FFFF;
	_ =	strace $0x9FFFFFFF  }
0xc9: {  	(tm) =	ssettm $0x7FFFFFFF  }
tec
execute0_lowered:
.L_overlay_start_1:
0x0: {  	(tag) =	ssettag $0x1  }
0x1: {  	s1 =	rddreg [dreg:$0x0]  }
0x2: {  	s4 =	rddreg [dreg:$0x1]  }
0x3: {  	s7 =	rddreg [dreg:$0x2]  }
0x4: {  	s0 =	rddreg [dreg:$0x3];
	s3 =	simm.s32 $0x0;
	s5 =	srdreg.scid  }
0x5: {  	s2 =	stileid.u32;
	s12 =	simm.s32 $0x900;
	s13 =	simm.s32 $0x1100  }
0x6: {  	s14 =	simm.s32 $0x1900;
	s15 =	simm.s32 $0x2100;
	s16 =	simm.s32 $0x2900  }
0x7: {  	s17 =	simm.s32 $0x3100;
	s18 =	simm.s32 $0x3900;
	s19 =	simm.s32 $0x1  }
0x8: {  	s20 =	simm.s32 $0x2;
	[smem:$0x7FF] =	sst s3;
	s5 =	sand.u32 $0x1, s5  }
0x9: {  	s6 =	sshll.u32 s2, $0x7;
	s9 =	sadd.s32 $0x2C00, s4;
	s8 =	sshll.u32 s5, $0x6  }
0xa: {  	_ =	strace $0x80000047;
	s29 =	ssub.s32 $0x2, s5;
	s6 =	sor.u32 s8, s6  }
0xb: {  	s5 =	sshrl.u32 s29, $0x1;
	s8 =	sshrl.u32 s6, $0x3;
	s10 =	sor.u32 $0x20, s6  }
0xc: {  	s11 =	ssub.s32 s29, s5;
	s6 =	sshll.u32 s6, $0x5;
	s4 =	sadd.s32 s9, s8  }
0xd: {  	v2 =	vlaneseq.u32;
	s30 =	sshrl.u32 s10, $0x3;
	s31 =	sshll.u32 s10, $0x5;
	s6 =	sadd.s32 s7, s6  }
0xe: {  	vm0 =	vmmov $0xffff;
	v1 =	vshrl.u32 v2, $0x3;
	s8 =	smax.u32 s11, $0x1;
	s10 =	simm.s32 $0x80;
	s11 =	simm.s32 $0x100  }
0xf: {  	v0 =	vand.u32 $0x7, v2;
	v2 =	vor.u32 $0x8, v2;
	v1 =	vmul.u32 $0x8, v1;
	s5 =	sadd.s32 s9, s30;
	s7 =	sadd.s32 s7, s31;
	s9 =	simm.s32 $0x3  }
.LBB2_1:
0x10: {  	[tilespmem:s3], [sflag:$0x3] =	stream.linear.gather [hbm4b:s4+s3], $0x20, $0x38;
	[tilespmem:$0x4100] =	vst v63  }
0x11: {  	_ =	swait.ge [sflag:s9], $0x20  }
0x12: {  	[sflag:s9] =	ssyncset.done $0x0  }
0x13: {  	[sflag:s9] =	ssyncadd.s32 $0xFFFFFFE0  }
0x14: {  	[tilespmem:s10], [sflag:$0x3] =	stream.linear.gather [hbm4b:s5+s3], $0x20, $0x38;
	[tilespmem:$0x4100] =	vst v63  }
0x15: {  	_ =	swait.ge [sflag:s9], $0x20  }
0x16: {  	[sflag:s9] =	ssyncset.done $0x0  }
0x17: {  	[sflag:s9] =	ssyncadd.s32 $0xFFFFFFE0  }
0x18: {  	v3 =	vld [tilespmem:$0x0];
	_ =	sdelay $0x4  }
0x19: {  	v4 =	vshll.u32 v3, $0x1  }
0x1a: {  	v3 =	vand.u32 $0x7, v3;
	v4 =	vand.u32 $0xFFFFFFF0, v4  }
0x1b: {  	v3 =	vor.u32 v3, v4  }
0x1c: {  	v4 =	vperm.xlane v3, v0;
	_ =	sdelay $0x1  }
0x1d: {  	v3 =	vperm.xlane v3, v2;
	v4 =	vadd.s32 v1, v4;
	_ =	sdelay $0x1  }
0x1e: {  	v3 =	vadd.s32 v1, v3;
	_ =	sdelay $0x2  }
0x1f: {  	[tilespmem:s11], [sflag:$0x1] =	stream.indirect_vreg.gather [hbm4b:s1+s3], $0x80, v4, vm0, $0xb8;
	[tilespmem:$0x4100] =	vst v63  }
0x20: {  	_ = 	snop  }
0x21: {  	[tilespmem:s12], [sflag:$0x1] =	stream.indirect_vreg.gather [hbm4b:s1+s3], $0x80, v3, vm0, $0xb8;
	[tilespmem:$0x4100] =	vst v63  }
0x22: {  	v3 =	vld [tilespmem:$0x10];
	_ =	sdelay $0x4  }
0x23: {  	v61 =	vshll.u32 v3, $0x1  }
0x24: {  	v3 =	vand.u32 $0x7, v3;
	v4 =	vand.u32 $0xFFFFFFF0, v61  }
0x25: {  	v3 =	vor.u32 v3, v4  }
0x26: {  	v4 =	vperm.xlane v3, v0;
	_ =	sdelay $0x1  }
0x27: {  	v3 =	vperm.xlane v3, v2;
	v4 =	vadd.s32 v1, v4;
	_ =	sdelay $0x1  }
0x28: {  	v3 =	vadd.s32 v1, v3;
	_ =	sdelay $0x2  }
0x29: {  	[tilespmem:s13], [sflag:$0x1] =	stream.indirect_vreg.gather [hbm4b:s1+s3], $0x80, v4, vm0, $0xb8;
	[tilespmem:$0x4100] =	vst v63  }
0x2a: {  	_ = 	snop  }
0x2b: {  	[tilespmem:s14], [sflag:$0x1] =	stream.indirect_vreg.gather [hbm4b:s1+s3], $0x80, v3, vm0, $0xb8;
	[tilespmem:$0x4100] =	vst v63  }
0x2c: {  	v3 =	vld [tilespmem:$0x80];
	_ =	sdelay $0x4  }
0x2d: {  	v62 =	vshll.u32 v3, $0x1  }
0x2e: {  	v3 =	vand.u32 $0x7, v3;
	v4 =	vand.u32 $0xFFFFFFF0, v62  }
0x2f: {  	v3 =	vor.u32 v3, v4  }
0x30: {  	v4 =	vperm.xlane v3, v0;
	_ =	sdelay $0x1  }
0x31: {  	v3 =	vperm.xlane v3, v2;
	v4 =	vadd.s32 v1, v4;
	_ =	sdelay $0x1  }
0x32: {  	v3 =	vadd.s32 v1, v3;
	_ =	sdelay $0x2  }
0x33: {  	[tilespmem:s15], [sflag:$0x2] =	stream.indirect_vreg.gather [hbm4b:s1+s3], $0x80, v4, vm0, $0xb8;
	[tilespmem:$0x4100] =	vst v63  }
0x34: {  	_ = 	snop  }
0x35: {  	[tilespmem:s16], [sflag:$0x2] =	stream.indirect_vreg.gather [hbm4b:s1+s3], $0x80, v3, vm0, $0xb8;
	[tilespmem:$0x4100] =	vst v63  }
0x36: {  	v3 =	vld [tilespmem:$0x90];
	_ =	sdelay $0x4  }
0x37: {  	v63 =	vshll.u32 v3, $0x1  }
0x38: {  	v3 =	vand.u32 $0x7, v3;
	v4 =	vand.u32 $0xFFFFFFF0, v63  }
0x39: {  	v3 =	vor.u32 v3, v4  }
0x3a: {  	v4 =	vperm.xlane v3, v0;
	_ =	sdelay $0x1  }
0x3b: {  	v3 =	vperm.xlane v3, v2;
	v4 =	vadd.s32 v1, v4;
	_ =	sdelay $0x1  }
0x3c: {  	v3 =	vadd.s32 v1, v3;
	_ =	sdelay $0x2  }
0x3d: {  	[tilespmem:s17], [sflag:$0x2] =	stream.indirect_vreg.gather [hbm4b:s1+s3], $0x80, v4, vm0, $0xb8;
	[tilespmem:$0x4100] =	vst v63  }
0x3e: {  	_ = 	snop  }
0x3f: {  	[tilespmem:s18], [sflag:$0x2] =	stream.indirect_vreg.gather [hbm4b:s1+s3], $0x80, v3, vm0, $0xb8;
	[tilespmem:$0x4100] =	vst v63  }
0x40: {  	_ =	swait.ge [sflag:s19], $0x2000  }
0x41: {  	[sflag:s19] =	ssyncset.done $0x0  }
0x42: {  	[sflag:s19] =	ssyncadd.s32 $0xFFFFE000  }
0x43: {  	[hbm4b:s6+s3] =	stream.linear.scatter [tilespmem:s11], [sflag:$0x3], $0x2000, $0x38;
	[tilespmem:$0x4100] =	vst v63  }
0x44: {  	_ =	swait.ge [sflag:s9], $0x2000  }
0x45: {  	[sflag:s9] =	ssyncset.done $0x0  }
0x46: {  	[sflag:s9] =	ssyncadd.s32 $0xFFFFE000  }
0x47: {  	_ =	swait.ge [sflag:s20], $0x2000  }
0x48: {  	p0 =	sne.s32 s8, $0x1;
	[sflag:s20] =	ssyncset.done $0x0  }
.Ltmp0:
0x49: {  	[sflag:s20] =	ssyncadd.s32 $0xFFFFE000;
	(pc) =	sbr.rel @p0 .LBB2_1-.Ltmp0, $4  }
0x4a: {  	[hbm4b:s7+s3] =	stream.linear.scatter [tilespmem:s15], [sflag:$0x3], $0x2000, $0x38;
	[tilespmem:$0x4100] =	vst v63  }
0x4b: {  	_ =	swait.ge [sflag:s9], $0x2000  }
0x4c: {  	[sflag:s9] =	ssyncset.done $0x0  }
0x4d: {  	s8 =	sadd.s32 $0xFFFFFFFF, s8;
	[sflag:s9] =	ssyncadd.s32 $0xFFFFE000  }
0x4e: {  	_ =	sfence.sel $0x180000  }
0x4f: {  	[bflag:$0x0] =	sbarrier.arrive $0xFFFF  }
0x50: {  	p0 =	sne.s32 s2, $0x0;
	_ =	strace $0x90000047  }
0x51: {  	s0 =	sadd.s32 @!p0 $0x100000, s0;
	[bflag:$0x2] =	sbarrier.arrive $0xFFFF  }
0x52: {  	[sflag:s0] =	ssyncadd.tile.s32 @!p0 $0x1;
	_ =	shalt  }
.Lfunc_end2:
_tile_overlayer_lowered:
.L_overlay_start_2:
0x53: {  	(tag) =	ssettag $0x2  }
0x54: {  	s0 =	rddreg [dreg:$0x0];
	s2 =	stileid.u32  }
0x55: {  	s1 =	rddreg [dreg:$0x1];
	p0 =	sne.s32 s2, $0x0  }
0x56: {  	s3 =	rddreg [dreg:$0x2];
	[bflag:$0x3] =	sbarrier.arrive $0xFFFF;
	s2 =	simm.s32 @!p0 $0x1C03  }
0x57: {  	[timem:s3], [sflag:s2] =	dma.local @!p0 [hbm:s0], s1  }
0x58: {  	s0 =	simm.s32 @!p0 $0x3  }
0x59: {  	_ =	swait.ge @!p0 [sflag:s0], s1  }
0x5a: {  	s1 =	ssub.s32 @!p0 $0x0, s1;
	[sflag:s0] =	ssyncset.done @!p0 $0x0  }
0x5b: {  	[sflag:s0] =	ssyncadd.s32 @!p0 s1  }
0x5c: {  	[bflag:$0x3] =	sbarrier.arrive $0xFFFF  }
0x5d: {  	_ =	shalt  }

</sc_bundles>
